<compile_context>
chip_gen: v7x
topology: tpu7x:2x2x1
jax: 0.10.2.dev20260603
libtpu: 0.0.44.dev20260713+nightly
codegen_flags: <defaults>
</compile_context>

<pallas_src>
import functools

import jax
import jax.numpy as jnp
from jax import lax
from jax.experimental import pallas as pl
from jax.experimental.pallas import tpu as pltpu
from jax.experimental.pallas import tpu_sc as plsc

N = 2048
L = 16
NC = 2
NS = 16
NW = NC * NS
ROWS_PER_W = N // NW
MAX_PAIRS = 64 * N
SLICE = MAX_PAIRS // NW
CHUNKS = N // L
CUT2 = 25.0
STAGE_BASE = N
CAP = SLICE + 3 * N + L


def _rsqrt(x):
    xi = lax.bitcast_convert_type(x, jnp.int32)
    yi = jnp.int32(0x5F3759DF) - (xi >> 1)
    y = lax.bitcast_convert_type(yi, jnp.float32)
    for _ in range(3):
        y = y * (1.5 - 0.5 * x * y * y)
    return y


def _worker_id():
    return lax.axis_index("s") * NC + lax.axis_index("c")


def _row_consts(px, py, pz, bt, i):
    iv = jnp.full((L,), i, jnp.int32)
    return (plsc.load_gather(px, [iv]), plsc.load_gather(py, [iv]),
            plsc.load_gather(pz, [iv]), plsc.load_gather(bt, [iv]), iv)


def _seg_scan(bt, seg_lo, seg_hi):
    seg_lo[pl.ds(0, L)] = jnp.zeros((L,), jnp.int32)
    seg_hi[pl.ds(0, L)] = jnp.full((L,), N, jnp.int32)
    lanes = lax.iota(jnp.int32, L)

    def chunk(cc, _):
        jj = cc * L + lanes
        bv = bt[pl.ds(cc * L, L)]
        bp = plsc.load_gather(bt, [jnp.maximum(jj - 1, 0)])
        m = bv != bp
        plsc.store_scatter(seg_lo, [bv], jj, mask=m)
        plsc.store_scatter(seg_hi, [bp], jj, mask=m)
        return 0

    lax.fori_loop(0, CHUNKS, chunk, 0)


def _lane0(v):
    return lax.squeeze(lax.slice(v, (0,), (1,)), (0,))


def _row_chunk_range(seg_lo, seg_hi, bi):
    lo = jnp.max(plsc.load_gather(seg_lo, [bi]))
    hi = jnp.max(plsc.load_gather(seg_hi, [bi]))
    return lo // L, (hi + L - 1) // L


def _chunk_mask(px, py, pz, bt, pxi, pyi, pzi, bi, iv, cc):
    sl = pl.ds(cc * L, L)
    dx = pxi - px[sl]
    dy = pyi - py[sl]
    dz = pzi - pz[sl]
    d2 = dx * dx + dy * dy + dz * dz
    jj = cc * L + lax.iota(jnp.int32, L)
    m = (d2 < CUT2) & (bt[sl] == bi) & (jj != iv)
    return m, d2, dx, dy, dz, jj


def _count_body(px_h, py_h, pz_h, bt_h, counts_h,
                px, py, pz, bt, cw, seg_lo, seg_hi):
    wid = _worker_id()
    pltpu.sync_copy(px_h, px)
    pltpu.sync_copy(py_h, py)
    pltpu.sync_copy(pz_h, pz)
    pltpu.sync_copy(bt_h, bt)
    _seg_scan(bt, seg_lo, seg_hi)
    row0 = wid * ROWS_PER_W
    lanes = lax.iota(jnp.int32, L)

    def row_block(b, _):
        def one_row(k, acc):
            i = row0 + b * L + k
            pxi, pyi, pzi, bi, iv = _row_consts(px, py, pz, bt, i)
            c_lo, c_hi = _row_chunk_range(seg_lo, seg_hi, bi)

            def chunk(cc, acc_v):
                m, *_ = _chunk_mask(px, py, pz, bt, pxi, pyi, pzi, bi, iv, cc)
                return acc_v + m.astype(jnp.int32)

            cntv = lax.fori_loop(c_lo, c_hi, chunk, jnp.zeros((L,), jnp.int32))
            cnt = jnp.sum(cntv)
            return jnp.where(lanes == k, cnt, acc)

        acc = lax.fori_loop(0, L, one_row, jnp.zeros((L,), jnp.int32))
        cw[pl.ds(b * L, L)] = acc
        return 0

    lax.fori_loop(0, ROWS_PER_W // L, row_block, 0)
    pltpu.sync_copy(cw, counts_h.at[pl.ds(row0, ROWS_PER_W)])


def _emit_body(px_h, py_h, pz_h, bt_h, counts_h,
               ei0_h, ei1_h, w_h, vx_h, vy_h, vz_h,
               px, py, pz, bt, cv, ov, seg_lo, seg_hi,
               s_i0, s_i1, s_w, s_vx, s_vy, s_vz):
    wid = _worker_id()
    pltpu.sync_copy(px_h, px)
    pltpu.sync_copy(py_h, py)
    pltpu.sync_copy(pz_h, pz)
    pltpu.sync_copy(bt_h, bt)
    pltpu.sync_copy(counts_h, cv)
    _seg_scan(bt, seg_lo, seg_hi)

    lo = wid * SLICE
    hi = lo + SLICE

    def pref(cc, base_v):
        sl = pl.ds(cc * L, L)
        v = cv[sl]
        ov[sl] = base_v + plsc.cumsum(v) - v
        last = jnp.full((L,), cc * L + (L - 1), jnp.int32)
        return plsc.load_gather(ov, [last]) + plsc.load_gather(cv, [last])

    lax.fori_loop(0, CHUNKS, pref, jnp.zeros((L,), jnp.int32))

    negs = jnp.full((L,), -1, jnp.int32)
    zers = jnp.zeros((L,), jnp.float32)

    def fill(t, _):
        sl = pl.ds(t * L, L)
        s_i0[sl] = negs
        s_i1[sl] = negs
        s_w[sl] = zers
        s_vx[sl] = zers
        s_vy[sl] = zers
        s_vz[sl] = zers
        return 0

    plsc.parallel_loop(0, CAP // L)(lambda t: fill(t, 0) and None)

    lanes = lax.iota(jnp.int32, L)

    def scan(cc, best_v):
        sl = pl.ds(cc * L, L)
        endv = ov[sl] + cv[sl]
        rows = cc * L + lanes
        cand = jnp.where(endv > lo, rows, N)
        return jnp.minimum(best_v, cand)

    best_v = lax.fori_loop(0, CHUNKS, scan, jnp.full((L,), N, jnp.int32))
    r_start = jnp.min(best_v)

    def first_off(r):
        rv = jnp.full((L,), jnp.minimum(r, N - 1), jnp.int32)
        return jnp.max(plsc.load_gather(ov, [rv]))

    cur0 = jnp.where(r_start < N, first_off(r_start), hi)

    def cond(carry):
        r, cur = carry
        return (r < N) & (cur < hi)

    def body(carry):
        r, cur = carry
        pxi, pyi, pzi, bi, iv = _row_consts(px, py, pz, bt, r)
        c_lo, c_hi = _row_chunk_range(seg_lo, seg_hi, bi)
        c0 = cur - lo + STAGE_BASE

        def chunk(cc, cur_v):
            m, d2, dx, dy, dz, jj = _chunk_mask(
                px, py, pz, bt, pxi, pyi, pzi, bi, iv, cc)
            d = d2 * _rsqrt(jnp.maximum(d2, 1e-30))
            pos = cur_v + plsc.cumsum(m.astype(jnp.int32)) - 1
            plsc.store_scatter(s_i0, [pos], iv, mask=m)
            plsc.store_scatter(s_i1, [pos], jj, mask=m)
            plsc.store_scatter(s_w, [pos], d, mask=m)
            plsc.store_scatter(s_vx, [pos], dx, mask=m)
            plsc.store_scatter(s_vy, [pos], dy, mask=m)
            plsc.store_scatter(s_vz, [pos], dz, mask=m)
            return cur_v + plsc.all_reduce_population_count(m)

        c0_v = jnp.full((L,), c0, jnp.int32)
        c1_v = plsc.parallel_loop(c_lo, c_hi, carry=c0_v)(chunk)
        return r + 1, cur + _lane0(c1_v - c0_v)

    lax.while_loop(cond, body, (r_start, cur0))

    src = pl.ds(STAGE_BASE, SLICE)
    dst = pl.ds(lo, SLICE)
    pltpu.sync_copy(s_i0.at[src], ei0_h.at[dst])
    pltpu.sync_copy(s_i1.at[src], ei1_h.at[dst])
    pltpu.sync_copy(s_w.at[src], w_h.at[dst])
    pltpu.sync_copy(s_vx.at[src], vx_h.at[dst])
    pltpu.sync_copy(s_vy.at[src], vy_h.at[dst])
    pltpu.sync_copy(s_vz.at[src], vz_h.at[dst])


@functools.cache
def _mesh():
    return plsc.VectorSubcoreMesh(
        core_axis_name="c", subcore_axis_name="s",
        num_cores=NC, num_subcores=NS)


@functools.cache
def _count_call():
    return pl.kernel(
        _count_body,
        out_type=jax.ShapeDtypeStruct((N,), jnp.int32),
        mesh=_mesh(),
        compiler_params=pltpu.CompilerParams(needs_layout_passes=False),
        scratch_types=[
            pltpu.VMEM((N,), jnp.float32),
            pltpu.VMEM((N,), jnp.float32),
            pltpu.VMEM((N,), jnp.float32),
            pltpu.VMEM((N,), jnp.int32),
            pltpu.VMEM((ROWS_PER_W,), jnp.int32),
            pltpu.VMEM((L,), jnp.int32),
            pltpu.VMEM((L,), jnp.int32),
        ],
    )


@functools.cache
def _emit_call():
    return pl.kernel(
        _emit_body,
        out_type=(
            jax.ShapeDtypeStruct((MAX_PAIRS,), jnp.int32),
            jax.ShapeDtypeStruct((MAX_PAIRS,), jnp.int32),
            jax.ShapeDtypeStruct((MAX_PAIRS,), jnp.float32),
            jax.ShapeDtypeStruct((MAX_PAIRS,), jnp.float32),
            jax.ShapeDtypeStruct((MAX_PAIRS,), jnp.float32),
            jax.ShapeDtypeStruct((MAX_PAIRS,), jnp.float32),
        ),
        mesh=_mesh(),
        compiler_params=pltpu.CompilerParams(needs_layout_passes=False),
        scratch_types=[
            pltpu.VMEM((N,), jnp.float32),
            pltpu.VMEM((N,), jnp.float32),
            pltpu.VMEM((N,), jnp.float32),
            pltpu.VMEM((N,), jnp.int32),
            pltpu.VMEM((N,), jnp.int32),
            pltpu.VMEM((N,), jnp.int32),
            pltpu.VMEM((L,), jnp.int32),
            pltpu.VMEM((L,), jnp.int32),
            pltpu.VMEM((CAP,), jnp.int32),
            pltpu.VMEM((CAP,), jnp.int32),
            pltpu.VMEM((CAP,), jnp.float32),
            pltpu.VMEM((CAP,), jnp.float32),
            pltpu.VMEM((CAP,), jnp.float32),
            pltpu.VMEM((CAP,), jnp.float32),
        ],
    )


@jax.jit
def kernel(pos, batch):
    pos = pos.astype(jnp.float32)
    px = pos[:, 0] + 0.0
    py = pos[:, 1] + 0.0
    pz = pos[:, 2] + 0.0
    bt = batch.astype(jnp.int32)
    counts = _count_call()(px, py, pz, bt)
    ei0, ei1, w, vx, vy, vz = _emit_call()(px, py, pz, bt, counts)
    edge_index = jnp.stack([ei0, ei1])
    edge_weight = w
    edge_vec = jnp.stack([vx, vy, vz], axis=1)
    return (edge_index, edge_weight, edge_vec)

# --- scband reference (transcript-rebuilt; emitter-appended) ---
"""Pipeline reference for scband-optimized-distance-75376676045589 (READ-ONLY COPY).

The authoritative reference and input builder live on the scoring server;
editing this copy changes nothing except your own understanding.
"""

import jax, jax.numpy as jnp
import numpy as np

CUTOFF_LOWER = 0.0
CUTOFF_UPPER = 5.0
MAX_NUM_PAIRS = -64  # negative => max neighbors per atom


def setup_inputs(seed: int = 0) -> dict:
    key = jax.random.key(seed)
    k1, k2 = jax.random.split(key)
    # uniform positions in a 16 Angstrom cube -> ~30 neighbors/atom at cutoff 5
    pos = jax.random.uniform(k1, (2048, 3), dtype=jnp.float32) * 16.0
    batch = jnp.sort(jax.random.randint(k2, (2048,), 0, 8))
    return {"pos": pos, "batch": batch}


def reference(pos, batch):
    # Faithful brute-force O(N^2) neighbor list, loop=False, include_transpose=True,
    # no PBC (use_periodic=False), resize_to_fit=False -> padded with (-1,-1) pairs.
    N = pos.shape[0]
    max_pairs = -MAX_NUM_PAIRS * N  # max_num_pairs < 0 => -max_num_pairs * N
    diff = pos[:, None, :] - pos[None, :, :]
    d2 = jnp.sum(diff * diff, axis=-1)
    same_batch = batch[:, None] == batch[None, :]
    not_self = ~jnp.eye(N, dtype=bool)
    # pairs with cutoff_lower <= dist < cutoff_upper (compare squared dists; cutoffs >= 0)
    mask = same_batch & not_self & (d2 < CUTOFF_UPPER * CUTOFF_UPPER) & (d2 >= CUTOFF_LOWER * CUTOFF_LOWER)
    flat = mask.reshape(-1)
    # put all valid pair slots first (order within the list is arbitrary in the kernel)
    order = jnp.argsort(jnp.where(flat, 0, 1).astype(jnp.int32))
    sel = order[:max_pairs]
    valid = flat[sel]
    i = sel // N
    j = sel % N
    vec = pos[i] - pos[j]
    # +1 under the sqrt for padded slots avoids sqrt(0); masked out below
    d = jnp.sqrt(jnp.sum(vec * vec, axis=-1) + jnp.where(valid, 0.0, 1.0))
    edge_index = jnp.where(valid[None, :], jnp.stack([i, j]).astype(jnp.int32), -1)
    edge_weight = jnp.where(valid, d, 0.0)
    edge_vec = jnp.where(valid[:, None], vec, 0.0)
    return (edge_index, edge_weight, edge_vec)

if __name__ == "__main__":
    import jax
    _d = setup_inputs()
    print(jax.jit(kernel)(*tuple(_d.values())))

</pallas_src>

<mosaic_0001>
#map = affine_map<(d0, d1) -> (0)>
module attributes {stable_mosaic.version = 14 : i64} {
  func.func @_count_body(%arg0: i32, %arg1: i32, %arg2: memref<2048xf32, #tpu.memory_space<hbm>>, %arg3: memref<2048xf32, #tpu.memory_space<hbm>>, %arg4: memref<2048xf32, #tpu.memory_space<hbm>>, %arg5: memref<2048xi32, #tpu.memory_space<hbm>>, %arg6: memref<2048xi32, #tpu.memory_space<hbm>>, %arg7: memref<2048xf32, #tpu.memory_space<vmem>>, %arg8: memref<2048xf32, #tpu.memory_space<vmem>>, %arg9: memref<2048xf32, #tpu.memory_space<vmem>>, %arg10: memref<2048xi32, #tpu.memory_space<vmem>>, %arg11: memref<64xi32, #tpu.memory_space<vmem>>, %arg12: memref<16xi32, #tpu.memory_space<vmem>>, %arg13: memref<16xi32, #tpu.memory_space<vmem>>) attributes {dimension_semantics = [#tpu.dimension_semantics<core_parallel>, #tpu.dimension_semantics<subcore_parallel>], iteration_bounds = array<i64: 2, 16>, scalar_prefetch = 0 : i64, scratch_operands = 7 : i64, tpu.core_type = #tpu.core_type<sc_vector_subcore>, window_params = [{transform_indices = #map}, {transform_indices = #map}, {transform_indices = #map}, {transform_indices = #map}, {transform_indices = #map}]} {
    %mul3A = arith.constant 2 : i32
    %mul3A_0 = arith.muli %arg1, %mul3A : i32
    %add3A = arith.addi %mul3A_0, %arg0 : i32
    "tpu.region"() ({
      %run_scoped3A = tpu.sem_alloc : memref<!tpu.dma_semaphore, #tpu.memory_space<semaphore_mem>>
      tpu.enqueue_dma source(%arg2 : memref<2048xf32, #tpu.memory_space<hbm>>) target(%arg7 : memref<2048xf32, #tpu.memory_space<vmem>>) target_semaphore(%run_scoped3A : memref<!tpu.dma_semaphore, #tpu.memory_space<semaphore_mem>>)
      tpu.wait_dma2 semaphore(%run_scoped3A : memref<!tpu.dma_semaphore, #tpu.memory_space<semaphore_mem>>) src(%arg2 : memref<2048xf32, #tpu.memory_space<hbm>>) dst(%arg7 : memref<2048xf32, #tpu.memory_space<vmem>>)
      tpu.yield
    }) : () -> ()
    "tpu.region"() ({
      %run_scoped3A = tpu.sem_alloc : memref<!tpu.dma_semaphore, #tpu.memory_space<semaphore_mem>>
      tpu.enqueue_dma source(%arg3 : memref<2048xf32, #tpu.memory_space<hbm>>) target(%arg8 : memref<2048xf32, #tpu.memory_space<vmem>>) target_semaphore(%run_scoped3A : memref<!tpu.dma_semaphore, #tpu.memory_space<semaphore_mem>>)
      tpu.wait_dma2 semaphore(%run_scoped3A : memref<!tpu.dma_semaphore, #tpu.memory_space<semaphore_mem>>) src(%arg3 : memref<2048xf32, #tpu.memory_space<hbm>>) dst(%arg8 : memref<2048xf32, #tpu.memory_space<vmem>>)
      tpu.yield
    }) : () -> ()
    "tpu.region"() ({
      %run_scoped3A = tpu.sem_alloc : memref<!tpu.dma_semaphore, #tpu.memory_space<semaphore_mem>>
      tpu.enqueue_dma source(%arg4 : memref<2048xf32, #tpu.memory_space<hbm>>) target(%arg9 : memref<2048xf32, #tpu.memory_space<vmem>>) target_semaphore(%run_scoped3A : memref<!tpu.dma_semaphore, #tpu.memory_space<semaphore_mem>>)
      tpu.wait_dma2 semaphore(%run_scoped3A : memref<!tpu.dma_semaphore, #tpu.memory_space<semaphore_mem>>) src(%arg4 : memref<2048xf32, #tpu.memory_space<hbm>>) dst(%arg9 : memref<2048xf32, #tpu.memory_space<vmem>>)
      tpu.yield
    }) : () -> ()
    "tpu.region"() ({
      %run_scoped3A = tpu.sem_alloc : memref<!tpu.dma_semaphore, #tpu.memory_space<semaphore_mem>>
      tpu.enqueue_dma source(%arg5 : memref<2048xi32, #tpu.memory_space<hbm>>) target(%arg10 : memref<2048xi32, #tpu.memory_space<vmem>>) target_semaphore(%run_scoped3A : memref<!tpu.dma_semaphore, #tpu.memory_space<semaphore_mem>>)
      tpu.wait_dma2 semaphore(%run_scoped3A : memref<!tpu.dma_semaphore, #tpu.memory_space<semaphore_mem>>) src(%arg5 : memref<2048xi32, #tpu.memory_space<hbm>>) dst(%arg10 : memref<2048xi32, #tpu.memory_space<vmem>>)
      tpu.yield
    }) : () -> ()
    %broadcast_in_dim3A = arith.constant 0 : i32
    %broadcast_in_dim3A_1 = vector.broadcast %broadcast_in_dim3A : i32 to vector<16xi32>
    %swap3A = arith.constant 0 : index
    %swap3A_2 = tpu.vector_load %arg12[%swap3A] {strides = array<i32>} : memref<16xi32, #tpu.memory_space<vmem>>, vector<16xi32>,
    tpu.vector_store %arg12[%swap3A], %broadcast_in_dim3A_1 {strides = array<i32>} : memref<16xi32, #tpu.memory_space<vmem>>, vector<16xi32>,
    %broadcast_in_dim3A_3 = arith.constant 2048 : i32
    %broadcast_in_dim3A_4 = vector.broadcast %broadcast_in_dim3A_3 : i32 to vector<16xi32>
    %swap3A_5 = arith.constant 0 : index
    %swap3A_6 = tpu.vector_load %arg13[%swap3A_5] {strides = array<i32>} : memref<16xi32, #tpu.memory_space<vmem>>, vector<16xi32>,
    tpu.vector_store %arg13[%swap3A_5], %broadcast_in_dim3A_4 {strides = array<i32>} : memref<16xi32, #tpu.memory_space<vmem>>, vector<16xi32>,
    %iota3A = tpu.iota {dimensions = array<i32: 0>} : vector<16xi32>
    %scan3A = arith.constant 0 : i32
    %scan3A_7 = arith.constant 0 : i32
    %scan3A_8 = arith.constant 128 : i32
    %scan3A_9 = arith.addi %scan3A_7, %scan3A_8 : i32
    %scan3A_10 = arith.constant 1 : i32
    %scan3A_11 = scf.for %scan3A_23 = %scan3A_7 to %scan3A_9 step %scan3A_10 iter_args(%scan3A_24 = %scan3A) -> (i32)  : i32 {
      %mul3A_25 = arith.constant 16 : i32
      %mul3A_26 = arith.muli %scan3A_23, %mul3A_25 : i32
      %add3A_27 = vector.broadcast %mul3A_26 : i32 to vector<16xi32>
      %add3A_28 = arith.addi %add3A_27, %iota3A : vector<16xi32>
      %mul3A_29 = arith.constant 16 : i32
      %mul3A_30 = arith.muli %scan3A_23, %mul3A_29 : i32
      %get3A = arith.index_cast %mul3A_30 : i32 to index
      %get3A_31 = tpu.vector_load %arg10[%get3A] {strides = array<i32>} : memref<2048xi32, #tpu.memory_space<vmem>>, vector<16xi32>,
      %sub3A = arith.constant 1 : i32
      %sub3A_32 = vector.broadcast %sub3A : i32 to vector<16xi32>
      %sub3A_33 = arith.subi %add3A_28, %sub3A_32 : vector<16xi32>
      %max3A = arith.constant 0 : i32
      %max3A_34 = vector.broadcast %max3A : i32 to vector<16xi32>
      %max3A_35 = arith.maxsi %sub3A_33, %max3A_34 : vector<16xi32>
      %gather3A = tpu.vector_load_idx %arg10[%max3A_35] : memref<2048xi32, #tpu.memory_space<vmem>>[vector<16xi32>], vector<16xi32>,
      %ne3A = arith.cmpi ne, %get3A_31, %gather3A : vector<16xi32>
      tpu.vector_store_idx %arg12[%get3A_31], %add3A_28 masked %ne3A : memref<16xi32, #tpu.memory_space<vmem>>[vector<16xi32>], vector<16xi32>, vector<16xi1>
      tpu.vector_store_idx %arg13[%gather3A], %add3A_28 masked %ne3A : memref<16xi32, #tpu.memory_space<vmem>>[vector<16xi32>], vector<16xi32>, vector<16xi1>
      %scan3A_36 = arith.constant 0 : i32
      scf.yield %scan3A_36 : i32
    }
    %scan3A_12 = arith.constant 128 : i32
    %mul3A_13 = arith.constant 64 : i32
    %mul3A_14 = arith.muli %add3A, %mul3A_13 : i32
    %iota3A_15 = tpu.iota {dimensions = array<i32: 0>} : vector<16xi32>
    %scan3A_16 = arith.constant 0 : i32
    %scan3A_17 = arith.constant 0 : i32
    %scan3A_18 = arith.constant 4 : i32
    %scan3A_19 = arith.addi %scan3A_17, %scan3A_18 : i32
    %scan3A_20 = arith.constant 1 : i32
    %scan3A_21 = scf.for %scan3A_23 = %scan3A_17 to %scan3A_19 step %scan3A_20 iter_args(%scan3A_24 = %scan3A_16) -> (i32)  : i32 {
      %broadcast_in_dim3A_25 = arith.constant 0 : i32
      %broadcast_in_dim3A_26 = vector.broadcast %broadcast_in_dim3A_25 : i32 to vector<16xi32>
      %scan3A_27 = arith.constant 0 : i32
      %scan3A_28 = arith.constant 16 : i32
      %scan3A_29 = arith.addi %scan3A_27, %scan3A_28 : i32
      %scan3A_30 = arith.constant 1 : i32
      %scan3A_31 = scf.for %scan3A_38 = %scan3A_27 to %scan3A_29 step %scan3A_30 iter_args(%scan3A_39 = %broadcast_in_dim3A_26) -> (vector<16xi32>)  : i32 {
        %mul3A_40 = arith.constant 16 : i32
        %mul3A_41 = arith.muli %scan3A_23, %mul3A_40 : i32
        %add3A_42 = arith.addi %mul3A_14, %mul3A_41 : i32
        %add3A_43 = arith.addi %add3A_42, %scan3A_38 : i32
        %broadcast_in_dim3A_44 = vector.broadcast %add3A_43 : i32 to vector<16xi32>
        %gather3A = tpu.vector_load_idx %arg7[%broadcast_in_dim3A_44] : memref<2048xf32, #tpu.memory_space<vmem>>[vector<16xi32>], vector<16xf32>,
        %gather3A_45 = tpu.vector_load_idx %arg8[%broadcast_in_dim3A_44] : memref<2048xf32, #tpu.memory_space<vmem>>[vector<16xi32>], vector<16xf32>,
        %gather3A_46 = tpu.vector_load_idx %arg9[%broadcast_in_dim3A_44] : memref<2048xf32, #tpu.memory_space<vmem>>[vector<16xi32>], vector<16xf32>,
        %gather3A_47 = tpu.vector_load_idx %arg10[%broadcast_in_dim3A_44] : memref<2048xi32, #tpu.memory_space<vmem>>[vector<16xi32>], vector<16xi32>,
        %gather3A_48 = tpu.vector_load_idx %arg12[%gather3A_47] : memref<16xi32, #tpu.memory_space<vmem>>[vector<16xi32>], vector<16xi32>,
        %reduce_max3A = arith.constant true
        %reduce_max3A_49 = vector.broadcast %reduce_max3A : i1 to vector<16xi1>
        %reduce_max3A_50 = arith.constant -2147483648 : i32
        %reduce_max3A_51 = vector.broadcast %reduce_max3A_50 : i32 to vector<16xi32>
        %reduce_max3A_52 = arith.xori %gather3A_48, %reduce_max3A_51 : vector<16xi32>
        %reduce_max3A_53 = tpu.scan <max>, %reduce_max3A_52 masked %reduce_max3A_49 : vector<16xi32>, vector<16xi1> -> vector<16xi32>
        %reduce_max3A_54 = arith.xori %reduce_max3A_53, %reduce_max3A_51 : vector<16xi32>
        %reduce_max3A_55 = vector.extract %reduce_max3A_54[15] : i32 from vector<16xi32>
        %gather3A_56 = tpu.vector_load_idx %arg13[%gather3A_47] : memref<16xi32, #tpu.memory_space<vmem>>[vector<16xi32>], vector<16xi32>,
        %reduce_max3A_57 = arith.constant true
        %reduce_max3A_58 = vector.broadcast %reduce_max3A_57 : i1 to vector<16xi1>
        %reduce_max3A_59 = arith.constant -2147483648 : i32
        %reduce_max3A_60 = vector.broadcast %reduce_max3A_59 : i32 to vector<16xi32>
        %reduce_max3A_61 = arith.xori %gather3A_56, %reduce_max3A_60 : vector<16xi32>
        %reduce_max3A_62 = tpu.scan <max>, %reduce_max3A_61 masked %reduce_max3A_58 : vector<16xi32>, vector<16xi1> -> vector<16xi32>
        %reduce_max3A_63 = arith.xori %reduce_max3A_62, %reduce_max3A_60 : vector<16xi32>
        %reduce_max3A_64 = vector.extract %reduce_max3A_63[15] : i32 from vector<16xi32>
        %jit3A = arith.constant 16 : i32
        %div3A = arith.divsi %reduce_max3A_55, %jit3A : i32
        %sign3A = arith.constant 0 : i32
        %sign3A_65 = arith.cmpi sgt, %reduce_max3A_55, %sign3A : i32
        %sign3A_66 = arith.extui %sign3A_65 : i1 to i32
        %sign3A_67 = arith.constant 0 : i32
        %sign3A_68 = arith.cmpi slt, %reduce_max3A_55, %sign3A_67 : i32
        %sign3A_69 = arith.extui %sign3A_68 : i1 to i32
        %sign3A_70 = arith.subi %sign3A_66, %sign3A_69 : i32
        %sign3A_71 = arith.constant 0 : i32
        %sign3A_72 = arith.cmpi sgt, %jit3A, %sign3A_71 : i32
        %sign3A_73 = arith.extui %sign3A_72 : i1 to i32
        %sign3A_74 = arith.constant 0 : i32
        %sign3A_75 = arith.cmpi slt, %jit3A, %sign3A_74 : i32
        %sign3A_76 = arith.extui %sign3A_75 : i1 to i32
        %sign3A_77 = arith.subi %sign3A_73, %sign3A_76 : i32
        %ne3A = arith.cmpi ne, %sign3A_70, %sign3A_77 : i32
        %rem3A = arith.remsi %reduce_max3A_55, %jit3A : i32
        %ne3A_78 = arith.constant 0 : i32
        %ne3A_79 = arith.cmpi ne, %rem3A, %ne3A_78 : i32
        %and3A = arith.andi %ne3A, %ne3A_79 : i1
        %sub3A = arith.constant 1 : i32
        %sub3A_80 = arith.subi %div3A, %sub3A : i32
        %select_n3A = arith.select %and3A, %sub3A_80, %div3A : i32
        %add3A_81 = arith.constant 16 : i32
        %add3A_82 = arith.addi %reduce_max3A_64, %add3A_81 : i32
        %sub3A_83 = arith.constant 1 : i32
        %sub3A_84 = arith.subi %add3A_82, %sub3A_83 : i32
        %jit3A_85 = arith.constant 16 : i32
        %div3A_86 = arith.divsi %sub3A_84, %jit3A_85 : i32
        %sign3A_87 = arith.constant 0 : i32
        %sign3A_88 = arith.cmpi sgt, %sub3A_84, %sign3A_87 : i32
        %sign3A_89 = arith.extui %sign3A_88 : i1 to i32
        %sign3A_90 = arith.constant 0 : i32
        %sign3A_91 = arith.cmpi slt, %sub3A_84, %sign3A_90 : i32
        %sign3A_92 = arith.extui %sign3A_91 : i1 to i32
        %sign3A_93 = arith.subi %sign3A_89, %sign3A_92 : i32
        %sign3A_94 = arith.constant 0 : i32
        %sign3A_95 = arith.cmpi sgt, %jit3A_85, %sign3A_94 : i32
        %sign3A_96 = arith.extui %sign3A_95 : i1 to i32
        %sign3A_97 = arith.constant 0 : i32
        %sign3A_98 = arith.cmpi slt, %jit3A_85, %sign3A_97 : i32
        %sign3A_99 = arith.extui %sign3A_98 : i1 to i32
        %sign3A_100 = arith.subi %sign3A_96, %sign3A_99 : i32
        %ne3A_101 = arith.cmpi ne, %sign3A_93, %sign3A_100 : i32
        %rem3A_102 = arith.remsi %sub3A_84, %jit3A_85 : i32
        %ne3A_103 = arith.constant 0 : i32
        %ne3A_104 = arith.cmpi ne, %rem3A_102, %ne3A_103 : i32
        %and3A_105 = arith.andi %ne3A_101, %ne3A_104 : i1
        %sub3A_106 = arith.constant 1 : i32
        %sub3A_107 = arith.subi %div3A_86, %sub3A_106 : i32
        %select_n3A_108 = arith.select %and3A_105, %sub3A_107, %div3A_86 : i32
        %broadcast_in_dim3A_109 = arith.constant 0 : i32
        %broadcast_in_dim3A_110 = vector.broadcast %broadcast_in_dim3A_109 : i32 to vector<16xi32>
        %while3A = arith.subi %select_n3A_108, %select_n3A : i32
        %while3A_111 = arith.addi %select_n3A, %while3A : i32
        %while3A_112 = arith.constant 1 : i32
        %while3A_113 = arith.divsi %while3A, %while3A_112 : i32
        %while3A_114 = arith.muli %while3A_113, %while3A_112 : i32
        %while3A_115 = arith.addi %select_n3A, %while3A_114 : i32
        %while3A_116 = arith.constant 1 : i32
        %while3A_117 = scf.for %while3A_126 = %select_n3A to %while3A_115 step %while3A_116 iter_args(%while3A_127 = %broadcast_in_dim3A_110) -> (vector<16xi32>)  : i32 {
          %mul3A_128 = arith.constant 16 : i32
          %mul3A_129 = arith.muli %while3A_126, %mul3A_128 : i32
          %get3A = arith.index_cast %mul3A_129 : i32 to index
          %get3A_130 = tpu.vector_load %arg7[%get3A] {strides = array<i32>} : memref<2048xf32, #tpu.memory_space<vmem>>, vector<16xf32>,
          %sub3A_131 = arith.subf %gather3A, %get3A_130 : vector<16xf32>
          %get3A_132 = arith.index_cast %mul3A_129 : i32 to index
          %get3A_133 = tpu.vector_load %arg8[%get3A_132] {strides = array<i32>} : memref<2048xf32, #tpu.memory_space<vmem>>, vector<16xf32>,
          %sub3A_134 = arith.subf %gather3A_45, %get3A_133 : vector<16xf32>
          %get3A_135 = arith.index_cast %mul3A_129 : i32 to index
          %get3A_136 = tpu.vector_load %arg9[%get3A_135] {strides = array<i32>} : memref<2048xf32, #tpu.memory_space<vmem>>, vector<16xf32>,
          %sub3A_137 = arith.subf %gather3A_46, %get3A_136 : vector<16xf32>
          %mul3A_138 = arith.mulf %sub3A_131, %sub3A_131 : vector<16xf32>
          %mul3A_139 = arith.mulf %sub3A_134, %sub3A_134 : vector<16xf32>
          %add3A_140 = arith.addf %mul3A_138, %mul3A_139 : vector<16xf32>
          %mul3A_141 = arith.mulf %sub3A_137, %sub3A_137 : vector<16xf32>
          %add3A_142 = arith.addf %add3A_140, %mul3A_141 : vector<16xf32>
          %mul3A_143 = arith.constant 16 : i32
          %mul3A_144 = arith.muli %while3A_126, %mul3A_143 : i32
          %iota3A_145 = tpu.iota {dimensions = array<i32: 0>} : vector<16xi32>
          %add3A_146 = vector.broadcast %mul3A_144 : i32 to vector<16xi32>
          %add3A_147 = arith.addi %add3A_146, %iota3A_145 : vector<16xi32>
          %lt3A = arith.constant 2.500000e+01 : f32
          %lt3A_148 = vector.broadcast %lt3A : f32 to vector<16xf32>
          %lt3A_149 = arith.cmpf olt, %add3A_142, %lt3A_148 : vector<16xf32>
          %get3A_150 = arith.index_cast %mul3A_129 : i32 to index
          %get3A_151 = tpu.vector_load %arg10[%get3A_150] {strides = array<i32>} : memref<2048xi32, #tpu.memory_space<vmem>>, vector<16xi32>,
          %eq3A_152 = arith.cmpi eq, %get3A_151, %gather3A_47 : vector<16xi32>
          %and3A_153 = arith.andi %lt3A_149, %eq3A_152 : vector<16xi1>
          %ne3A_154 = arith.cmpi ne, %add3A_147, %broadcast_in_dim3A_44 : vector<16xi32>
          %and3A_155 = arith.andi %and3A_153, %ne3A_154 : vector<16xi1>
          %convert_element_type3A = arith.extui %and3A_155 : vector<16xi1> to vector<16xi32>
          %add3A_156 = arith.addi %while3A_127, %convert_element_type3A : vector<16xi32>
          scf.yield %add3A_156 : vector<16xi32>
        }
        %while3A_118 = arith.constant 1 : i32
        %while3A_119 = scf.for %while3A_126 = %while3A_115 to %while3A_111 step %while3A_118 iter_args(%while3A_127 = %while3A_117) -> (vector<16xi32>)  : i32 {
          %mul3A_128 = arith.constant 16 : i32
          %mul3A_129 = arith.muli %while3A_126, %mul3A_128 : i32
          %get3A = arith.index_cast %mul3A_129 : i32 to index
          %get3A_130 = tpu.vector_load %arg7[%get3A] {strides = array<i32>} : memref<2048xf32, #tpu.memory_space<vmem>>, vector<16xf32>,
          %sub3A_131 = arith.subf %gather3A, %get3A_130 : vector<16xf32>
          %get3A_132 = arith.index_cast %mul3A_129 : i32 to index
          %get3A_133 = tpu.vector_load %arg8[%get3A_132] {strides = array<i32>} : memref<2048xf32, #tpu.memory_space<vmem>>, vector<16xf32>,
          %sub3A_134 = arith.subf %gather3A_45, %get3A_133 : vector<16xf32>
          %get3A_135 = arith.index_cast %mul3A_129 : i32 to index
          %get3A_136 = tpu.vector_load %arg9[%get3A_135] {strides = array<i32>} : memref<2048xf32, #tpu.memory_space<vmem>>, vector<16xf32>,
          %sub3A_137 = arith.subf %gather3A_46, %get3A_136 : vector<16xf32>
          %mul3A_138 = arith.mulf %sub3A_131, %sub3A_131 : vector<16xf32>
          %mul3A_139 = arith.mulf %sub3A_134, %sub3A_134 : vector<16xf32>
          %add3A_140 = arith.addf %mul3A_138, %mul3A_139 : vector<16xf32>
          %mul3A_141 = arith.mulf %sub3A_137, %sub3A_137 : vector<16xf32>
          %add3A_142 = arith.addf %add3A_140, %mul3A_141 : vector<16xf32>
          %mul3A_143 = arith.constant 16 : i32
          %mul3A_144 = arith.muli %while3A_126, %mul3A_143 : i32
          %iota3A_145 = tpu.iota {dimensions = array<i32: 0>} : vector<16xi32>
          %add3A_146 = vector.broadcast %mul3A_144 : i32 to vector<16xi32>
          %add3A_147 = arith.addi %add3A_146, %iota3A_145 : vector<16xi32>
          %lt3A = arith.constant 2.500000e+01 : f32
          %lt3A_148 = vector.broadcast %lt3A : f32 to vector<16xf32>
          %lt3A_149 = arith.cmpf olt, %add3A_142, %lt3A_148 : vector<16xf32>
          %get3A_150 = arith.index_cast %mul3A_129 : i32 to index
          %get3A_151 = tpu.vector_load %arg10[%get3A_150] {strides = array<i32>} : memref<2048xi32, #tpu.memory_space<vmem>>, vector<16xi32>,
          %eq3A_152 = arith.cmpi eq, %get3A_151, %gather3A_47 : vector<16xi32>
          %and3A_153 = arith.andi %lt3A_149, %eq3A_152 : vector<16xi1>
          %ne3A_154 = arith.cmpi ne, %add3A_147, %broadcast_in_dim3A_44 : vector<16xi32>
          %and3A_155 = arith.andi %and3A_153, %ne3A_154 : vector<16xi1>
          %convert_element_type3A = arith.extui %and3A_155 : vector<16xi1> to vector<16xi32>
          %add3A_156 = arith.addi %while3A_127, %convert_element_type3A : vector<16xi32>
          scf.yield %add3A_156 : vector<16xi32>
        }
        %reduce_sum3A = arith.constant true
        %reduce_sum3A_120 = vector.broadcast %reduce_sum3A : i1 to vector<16xi1>
        %reduce_sum3A_121 = tpu.scan <sum>, %while3A_119 masked %reduce_sum3A_120 : vector<16xi32>, vector<16xi1> -> vector<16xi32>
        %reduce_sum3A_122 = vector.extract %reduce_sum3A_121[15] : i32 from vector<16xi32>
        %eq3A = vector.broadcast %scan3A_38 : i32 to vector<16xi32>
        %eq3A_123 = arith.cmpi eq, %iota3A_15, %eq3A : vector<16xi32>
        %broadcast_in_dim3A_124 = vector.broadcast %reduce_sum3A_122 : i32 to vector<16xi32>
        %select_n3A_125 = arith.select %eq3A_123, %broadcast_in_dim3A_124, %scan3A_39 : vector<16xi1>, vector<16xi32>
        scf.yield %select_n3A_125 : vector<16xi32>
      }
      %scan3A_32 = arith.constant 16 : i32
      %mul3A_33 = arith.constant 16 : i32
      %mul3A_34 = arith.muli %scan3A_23, %mul3A_33 : i32
      %swap3A_35 = arith.index_cast %mul3A_34 : i32 to index
      %swap3A_36 = tpu.vector_load %arg11[%swap3A_35] {strides = array<i32>} : memref<64xi32, #tpu.memory_space<vmem>>, vector<16xi32>,
      tpu.vector_store %arg11[%swap3A_35], %scan3A_31 {strides = array<i32>} : memref<64xi32, #tpu.memory_space<vmem>>, vector<16xi32>,
      %scan3A_37 = arith.constant 0 : i32
      scf.yield %scan3A_37 : i32
    }
    %scan3A_22 = arith.constant 4 : i32
    "tpu.region"() ({
      %run_scoped3A = tpu.sem_alloc : memref<!tpu.dma_semaphore, #tpu.memory_space<semaphore_mem>>
      %dma_start3A = tpu.memref_slice %arg6[%mul3A_14] : memref<2048xi32, #tpu.memory_space<hbm>> -> memref<64xi32, #tpu.memory_space<hbm>>
      %dma_start3A_23 = tpu.memref_slice %arg6[%mul3A_14] : memref<2048xi32, #tpu.memory_space<hbm>> -> memref<64xi32, #tpu.memory_space<hbm>>
      tpu.enqueue_dma source(%arg11 : memref<64xi32, #tpu.memory_space<vmem>>) target(%dma_start3A_23 : memref<64xi32, #tpu.memory_space<hbm>>) target_semaphore(%run_scoped3A : memref<!tpu.dma_semaphore, #tpu.memory_space<semaphore_mem>>)
      %dma_wait3A = tpu.memref_slice %arg6[%mul3A_14] : memref<2048xi32, #tpu.memory_space<hbm>> -> memref<64xi32, #tpu.memory_space<hbm>>
      %dma_wait3A_24 = tpu.memref_slice %arg6[%mul3A_14] : memref<2048xi32, #tpu.memory_space<hbm>> -> memref<64xi32, #tpu.memory_space<hbm>>
      tpu.wait_dma2 semaphore(%run_scoped3A : memref<!tpu.dma_semaphore, #tpu.memory_space<semaphore_mem>>) src(%arg11 : memref<64xi32, #tpu.memory_space<vmem>>) dst(%dma_wait3A_24 : memref<64xi32, #tpu.memory_space<hbm>>)
      tpu.yield
    }) : () -> ()
    return
  }
}

#map = affine_map<(d0, d1) -> (0)>
module attributes {stable_mosaic.version = 14 : i64} {
  func.func @_emit_body(%arg0: i32, %arg1: i32, %arg2: memref<2048xf32, #tpu.memory_space<hbm>>, %arg3: memref<2048xf32, #tpu.memory_space<hbm>>, %arg4: memref<2048xf32, #tpu.memory_space<hbm>>, %arg5: memref<2048xi32, #tpu.memory_space<hbm>>, %arg6: memref<2048xi32, #tpu.memory_space<hbm>>, %arg7: memref<131072xi32, #tpu.memory_space<hbm>>, %arg8: memref<131072xi32, #tpu.memory_space<hbm>>, %arg9: memref<131072xf32, #tpu.memory_space<hbm>>, %arg10: memref<131072xf32, #tpu.memory_space<hbm>>, %arg11: memref<131072xf32, #tpu.memory_space<hbm>>, %arg12: memref<131072xf32, #tpu.memory_space<hbm>>, %arg13: memref<2048xf32, #tpu.memory_space<vmem>>, %arg14: memref<2048xf32, #tpu.memory_space<vmem>>, %arg15: memref<2048xf32, #tpu.memory_space<vmem>>, %arg16: memref<2048xi32, #tpu.memory_space<vmem>>, %arg17: memref<2048xi32, #tpu.memory_space<vmem>>, %arg18: memref<2048xi32, #tpu.memory_space<vmem>>, %arg19: memref<16xi32, #tpu.memory_space<vmem>>, %arg20: memref<16xi32, #tpu.memory_space<vmem>>, %arg21: memref<10256xi32, #tpu.memory_space<vmem>>, %arg22: memref<10256xi32, #tpu.memory_space<vmem>>, %arg23: memref<10256xf32, #tpu.memory_space<vmem>>, %arg24: memref<10256xf32, #tpu.memory_space<vmem>>, %arg25: memref<10256xf32, #tpu.memory_space<vmem>>, %arg26: memref<10256xf32, #tpu.memory_space<vmem>>) attributes {dimension_semantics = [#tpu.dimension_semantics<core_parallel>, #tpu.dimension_semantics<subcore_parallel>], iteration_bounds = array<i64: 2, 16>, scalar_prefetch = 0 : i64, scratch_operands = 14 : i64, tpu.core_type = #tpu.core_type<sc_vector_subcore>, window_params = [{transform_indices = #map}, {transform_indices = #map}, {transform_indices = #map}, {transform_indices = #map}, {transform_indices = #map}, {transform_indices = #map}, {transform_indices = #map}, {transform_indices = #map}, {transform_indices = #map}, {transform_indices = #map}, {transform_indices = #map}]} {
    %mul3A = arith.constant 2 : i32
    %mul3A_0 = arith.muli %arg1, %mul3A : i32
    %add3A = arith.addi %mul3A_0, %arg0 : i32
    "tpu.region"() ({
      %run_scoped3A = tpu.sem_alloc : memref<!tpu.dma_semaphore, #tpu.memory_space<semaphore_mem>>
      tpu.enqueue_dma source(%arg2 : memref<2048xf32, #tpu.memory_space<hbm>>) target(%arg13 : memref<2048xf32, #tpu.memory_space<vmem>>) target_semaphore(%run_scoped3A : memref<!tpu.dma_semaphore, #tpu.memory_space<semaphore_mem>>)
      tpu.wait_dma2 semaphore(%run_scoped3A : memref<!tpu.dma_semaphore, #tpu.memory_space<semaphore_mem>>) src(%arg2 : memref<2048xf32, #tpu.memory_space<hbm>>) dst(%arg13 : memref<2048xf32, #tpu.memory_space<vmem>>)
      tpu.yield
    }) : () -> ()
    "tpu.region"() ({
      %run_scoped3A = tpu.sem_alloc : memref<!tpu.dma_semaphore, #tpu.memory_space<semaphore_mem>>
      tpu.enqueue_dma source(%arg3 : memref<2048xf32, #tpu.memory_space<hbm>>) target(%arg14 : memref<2048xf32, #tpu.memory_space<vmem>>) target_semaphore(%run_scoped3A : memref<!tpu.dma_semaphore, #tpu.memory_space<semaphore_mem>>)
      tpu.wait_dma2 semaphore(%run_scoped3A : memref<!tpu.dma_semaphore, #tpu.memory_space<semaphore_mem>>) src(%arg3 : memref<2048xf32, #tpu.memory_space<hbm>>) dst(%arg14 : memref<2048xf32, #tpu.memory_space<vmem>>)
      tpu.yield
    }) : () -> ()
    "tpu.region"() ({
      %run_scoped3A = tpu.sem_alloc : memref<!tpu.dma_semaphore, #tpu.memory_space<semaphore_mem>>
      tpu.enqueue_dma source(%arg4 : memref<2048xf32, #tpu.memory_space<hbm>>) target(%arg15 : memref<2048xf32, #tpu.memory_space<vmem>>) target_semaphore(%run_scoped3A : memref<!tpu.dma_semaphore, #tpu.memory_space<semaphore_mem>>)
      tpu.wait_dma2 semaphore(%run_scoped3A : memref<!tpu.dma_semaphore, #tpu.memory_space<semaphore_mem>>) src(%arg4 : memref<2048xf32, #tpu.memory_space<hbm>>) dst(%arg15 : memref<2048xf32, #tpu.memory_space<vmem>>)
      tpu.yield
    }) : () -> ()
    "tpu.region"() ({
      %run_scoped3A = tpu.sem_alloc : memref<!tpu.dma_semaphore, #tpu.memory_space<semaphore_mem>>
      tpu.enqueue_dma source(%arg5 : memref<2048xi32, #tpu.memory_space<hbm>>) target(%arg16 : memref<2048xi32, #tpu.memory_space<vmem>>) target_semaphore(%run_scoped3A : memref<!tpu.dma_semaphore, #tpu.memory_space<semaphore_mem>>)
      tpu.wait_dma2 semaphore(%run_scoped3A : memref<!tpu.dma_semaphore, #tpu.memory_space<semaphore_mem>>) src(%arg5 : memref<2048xi32, #tpu.memory_space<hbm>>) dst(%arg16 : memref<2048xi32, #tpu.memory_space<vmem>>)
      tpu.yield
    }) : () -> ()
    "tpu.region"() ({
      %run_scoped3A = tpu.sem_alloc : memref<!tpu.dma_semaphore, #tpu.memory_space<semaphore_mem>>
      tpu.enqueue_dma source(%arg6 : memref<2048xi32, #tpu.memory_space<hbm>>) target(%arg17 : memref<2048xi32, #tpu.memory_space<vmem>>) target_semaphore(%run_scoped3A : memref<!tpu.dma_semaphore, #tpu.memory_space<semaphore_mem>>)
      tpu.wait_dma2 semaphore(%run_scoped3A : memref<!tpu.dma_semaphore, #tpu.memory_space<semaphore_mem>>) src(%arg6 : memref<2048xi32, #tpu.memory_space<hbm>>) dst(%arg17 : memref<2048xi32, #tpu.memory_space<vmem>>)
      tpu.yield
    }) : () -> ()
    %broadcast_in_dim3A = arith.constant 0 : i32
    %broadcast_in_dim3A_1 = vector.broadcast %broadcast_in_dim3A : i32 to vector<16xi32>
    %swap3A = arith.constant 0 : index
    %swap3A_2 = tpu.vector_load %arg19[%swap3A] {strides = array<i32>} : memref<16xi32, #tpu.memory_space<vmem>>, vector<16xi32>,
    tpu.vector_store %arg19[%swap3A], %broadcast_in_dim3A_1 {strides = array<i32>} : memref<16xi32, #tpu.memory_space<vmem>>, vector<16xi32>,
    %broadcast_in_dim3A_3 = arith.constant 2048 : i32
    %broadcast_in_dim3A_4 = vector.broadcast %broadcast_in_dim3A_3 : i32 to vector<16xi32>
    %swap3A_5 = arith.constant 0 : index
    %swap3A_6 = tpu.vector_load %arg20[%swap3A_5] {strides = array<i32>} : memref<16xi32, #tpu.memory_space<vmem>>, vector<16xi32>,
    tpu.vector_store %arg20[%swap3A_5], %broadcast_in_dim3A_4 {strides = array<i32>} : memref<16xi32, #tpu.memory_space<vmem>>, vector<16xi32>,
    %iota3A = tpu.iota {dimensions = array<i32: 0>} : vector<16xi32>
    %scan3A = arith.constant 0 : i32
    %scan3A_7 = arith.constant 0 : i32
    %scan3A_8 = arith.constant 128 : i32
    %scan3A_9 = arith.addi %scan3A_7, %scan3A_8 : i32
    %scan3A_10 = arith.constant 1 : i32
    %scan3A_11 = scf.for %scan3A_57 = %scan3A_7 to %scan3A_9 step %scan3A_10 iter_args(%scan3A_58 = %scan3A) -> (i32)  : i32 {
      %mul3A_59 = arith.constant 16 : i32
      %mul3A_60 = arith.muli %scan3A_57, %mul3A_59 : i32
      %add3A_61 = vector.broadcast %mul3A_60 : i32 to vector<16xi32>
      %add3A_62 = arith.addi %add3A_61, %iota3A : vector<16xi32>
      %mul3A_63 = arith.constant 16 : i32
      %mul3A_64 = arith.muli %scan3A_57, %mul3A_63 : i32
      %get3A = arith.index_cast %mul3A_64 : i32 to index
      %get3A_65 = tpu.vector_load %arg16[%get3A] {strides = array<i32>} : memref<2048xi32, #tpu.memory_space<vmem>>, vector<16xi32>,
      %sub3A = arith.constant 1 : i32
      %sub3A_66 = vector.broadcast %sub3A : i32 to vector<16xi32>
      %sub3A_67 = arith.subi %add3A_62, %sub3A_66 : vector<16xi32>
      %max3A = arith.constant 0 : i32
      %max3A_68 = vector.broadcast %max3A : i32 to vector<16xi32>
      %max3A_69 = arith.maxsi %sub3A_67, %max3A_68 : vector<16xi32>
      %gather3A_70 = tpu.vector_load_idx %arg16[%max3A_69] : memref<2048xi32, #tpu.memory_space<vmem>>[vector<16xi32>], vector<16xi32>,
      %ne3A = arith.cmpi ne, %get3A_65, %gather3A_70 : vector<16xi32>
      tpu.vector_store_idx %arg19[%get3A_65], %add3A_62 masked %ne3A : memref<16xi32, #tpu.memory_space<vmem>>[vector<16xi32>], vector<16xi32>, vector<16xi1>
      tpu.vector_store_idx %arg20[%gather3A_70], %add3A_62 masked %ne3A : memref<16xi32, #tpu.memory_space<vmem>>[vector<16xi32>], vector<16xi32>, vector<16xi1>
      %scan3A_71 = arith.constant 0 : i32
      scf.yield %scan3A_71 : i32
    }
    %scan3A_12 = arith.constant 128 : i32
    %mul3A_13 = arith.constant 4096 : i32
    %mul3A_14 = arith.muli %add3A, %mul3A_13 : i32
    %add3A_15 = arith.constant 4096 : i32
    %add3A_16 = arith.addi %mul3A_14, %add3A_15 : i32
    %broadcast_in_dim3A_17 = arith.constant 0 : i32
    %broadcast_in_dim3A_18 = vector.broadcast %broadcast_in_dim3A_17 : i32 to vector<16xi32>
    %scan3A_19 = arith.constant 0 : i32
    %scan3A_20 = arith.constant 128 : i32
    %scan3A_21 = arith.addi %scan3A_19, %scan3A_20 : i32
    %scan3A_22 = arith.constant 1 : i32
    %scan3A_23 = scf.for %scan3A_57 = %scan3A_19 to %scan3A_21 step %scan3A_22 iter_args(%scan3A_58 = %broadcast_in_dim3A_18) -> (vector<16xi32>)  : i32 {
      %mul3A_59 = arith.constant 16 : i32
      %mul3A_60 = arith.muli %scan3A_57, %mul3A_59 : i32
      %get3A = arith.index_cast %mul3A_60 : i32 to index
      %get3A_61 = tpu.vector_load %arg17[%get3A] {strides = array<i32>} : memref<2048xi32, #tpu.memory_space<vmem>>, vector<16xi32>,
      %broadcast_in_dim3A_62 = arith.constant true
      %broadcast_in_dim3A_63 = vector.broadcast %broadcast_in_dim3A_62 : i1 to vector<16xi1>
      %masked_cumsum3A = tpu.scan <sum>, %get3A_61 masked %broadcast_in_dim3A_63 : vector<16xi32>, vector<16xi1> -> vector<16xi32>
      %add3A_64 = arith.addi %scan3A_58, %masked_cumsum3A : vector<16xi32>
      %sub3A = arith.subi %add3A_64, %get3A_61 : vector<16xi32>
      %swap3A_65 = arith.index_cast %mul3A_60 : i32 to index
      %swap3A_66 = tpu.vector_load %arg18[%swap3A_65] {strides = array<i32>} : memref<2048xi32, #tpu.memory_space<vmem>>, vector<16xi32>,
      tpu.vector_store %arg18[%swap3A_65], %sub3A {strides = array<i32>} : memref<2048xi32, #tpu.memory_space<vmem>>, vector<16xi32>,
      %mul3A_67 = arith.constant 16 : i32
      %mul3A_68 = arith.muli %scan3A_57, %mul3A_67 : i32
      %add3A_69 = arith.constant 15 : i32
      %add3A_70 = arith.addi %mul3A_68, %add3A_69 : i32
      %broadcast_in_dim3A_71 = vector.broadcast %add3A_70 : i32 to vector<16xi32>
      %gather3A_72 = tpu.vector_load_idx %arg18[%broadcast_in_dim3A_71] : memref<2048xi32, #tpu.memory_space<vmem>>[vector<16xi32>], vector<16xi32>,
      %gather3A_73 = tpu.vector_load_idx %arg17[%broadcast_in_dim3A_71] : memref<2048xi32, #tpu.memory_space<vmem>>[vector<16xi32>], vector<16xi32>,
      %add3A_74 = arith.addi %gather3A_72, %gather3A_73 : vector<16xi32>
      scf.yield %add3A_74 : vector<16xi32>
    }
    %scan3A_24 = arith.constant 128 : i32
    %broadcast_in_dim3A_25 = arith.constant -1 : i32
    %broadcast_in_dim3A_26 = vector.broadcast %broadcast_in_dim3A_25 : i32 to vector<16xi32>
    %broadcast_in_dim3A_27 = arith.constant 0.000000e+00 : f32
    %broadcast_in_dim3A_28 = vector.broadcast %broadcast_in_dim3A_27 : f32 to vector<16xf32>
    %parallel_loop3A = arith.constant 0 : i32
    %parallel_loop3A_29 = arith.constant 641 : i32
    %parallel_loop3A_30 = arith.constant 1 : i32
    scf.for %parallel_loop3A_57 = %parallel_loop3A to %parallel_loop3A_29 step %parallel_loop3A_30  : i32 {
      %parallel_loop3A_58 = arith.constant 16 : i32
      %parallel_loop3A_59 = arith.muli %parallel_loop3A_57, %parallel_loop3A_58 : i32
      %parallel_loop3A_60 = arith.index_cast %parallel_loop3A_59 : i32 to index
      %parallel_loop3A_61 = tpu.vector_load %arg21[%parallel_loop3A_60] {strides = array<i32>} : memref<10256xi32, #tpu.memory_space<vmem>>, vector<16xi32>,
      tpu.vector_store %arg21[%parallel_loop3A_60], %broadcast_in_dim3A_26 {strides = array<i32>} : memref<10256xi32, #tpu.memory_space<vmem>>, vector<16xi32>,
      %parallel_loop3A_62 = arith.index_cast %parallel_loop3A_59 : i32 to index
      %parallel_loop3A_63 = tpu.vector_load %arg22[%parallel_loop3A_62] {strides = array<i32>} : memref<10256xi32, #tpu.memory_space<vmem>>, vector<16xi32>,
      tpu.vector_store %arg22[%parallel_loop3A_62], %broadcast_in_dim3A_26 {strides = array<i32>} : memref<10256xi32, #tpu.memory_space<vmem>>, vector<16xi32>,
      %parallel_loop3A_64 = arith.index_cast %parallel_loop3A_59 : i32 to index
      %parallel_loop3A_65 = tpu.vector_load %arg23[%parallel_loop3A_64] {strides = array<i32>} : memref<10256xf32, #tpu.memory_space<vmem>>, vector<16xf32>,
      tpu.vector_store %arg23[%parallel_loop3A_64], %broadcast_in_dim3A_28 {strides = array<i32>} : memref<10256xf32, #tpu.memory_space<vmem>>, vector<16xf32>,
      %parallel_loop3A_66 = arith.index_cast %parallel_loop3A_59 : i32 to index
      %parallel_loop3A_67 = tpu.vector_load %arg24[%parallel_loop3A_66] {strides = array<i32>} : memref<10256xf32, #tpu.memory_space<vmem>>, vector<16xf32>,
      tpu.vector_store %arg24[%parallel_loop3A_66], %broadcast_in_dim3A_28 {strides = array<i32>} : memref<10256xf32, #tpu.memory_space<vmem>>, vector<16xf32>,
      %parallel_loop3A_68 = arith.index_cast %parallel_loop3A_59 : i32 to index
      %parallel_loop3A_69 = tpu.vector_load %arg25[%parallel_loop3A_68] {strides = array<i32>} : memref<10256xf32, #tpu.memory_space<vmem>>, vector<16xf32>,
      tpu.vector_store %arg25[%parallel_loop3A_68], %broadcast_in_dim3A_28 {strides = array<i32>} : memref<10256xf32, #tpu.memory_space<vmem>>, vector<16xf32>,
      %parallel_loop3A_70 = arith.index_cast %parallel_loop3A_59 : i32 to index
      %parallel_loop3A_71 = tpu.vector_load %arg26[%parallel_loop3A_70] {strides = array<i32>} : memref<10256xf32, #tpu.memory_space<vmem>>, vector<16xf32>,
      tpu.vector_store %arg26[%parallel_loop3A_70], %broadcast_in_dim3A_28 {strides = array<i32>} : memref<10256xf32, #tpu.memory_space<vmem>>, vector<16xf32>,
    } {sc.loop_unroll_factor = 1 : i64, sc.parallel_access}
    %iota3A_31 = tpu.iota {dimensions = array<i32: 0>} : vector<16xi32>
    %broadcast_in_dim3A_32 = arith.constant 2048 : i32
    %broadcast_in_dim3A_33 = vector.broadcast %broadcast_in_dim3A_32 : i32 to vector<16xi32>
    %scan3A_34 = arith.constant 0 : i32
    %scan3A_35 = arith.constant 128 : i32
    %scan3A_36 = arith.addi %scan3A_34, %scan3A_35 : i32
    %scan3A_37 = arith.constant 1 : i32
    %scan3A_38 = scf.for %scan3A_57 = %scan3A_34 to %scan3A_36 step %scan3A_37 iter_args(%scan3A_58 = %broadcast_in_dim3A_33) -> (vector<16xi32>)  : i32 {
      %mul3A_59 = arith.constant 16 : i32
      %mul3A_60 = arith.muli %scan3A_57, %mul3A_59 : i32
      %get3A = arith.index_cast %mul3A_60 : i32 to index
      %get3A_61 = tpu.vector_load %arg18[%get3A] {strides = array<i32>} : memref<2048xi32, #tpu.memory_space<vmem>>, vector<16xi32>,
      %get3A_62 = arith.index_cast %mul3A_60 : i32 to index
      %get3A_63 = tpu.vector_load %arg17[%get3A_62] {strides = array<i32>} : memref<2048xi32, #tpu.memory_space<vmem>>, vector<16xi32>,
      %add3A_64 = arith.addi %get3A_61, %get3A_63 : vector<16xi32>
      %mul3A_65 = arith.constant 16 : i32
      %mul3A_66 = arith.muli %scan3A_57, %mul3A_65 : i32
      %add3A_67 = vector.broadcast %mul3A_66 : i32 to vector<16xi32>
      %add3A_68 = arith.addi %add3A_67, %iota3A_31 : vector<16xi32>
      %gt3A = vector.broadcast %mul3A_14 : i32 to vector<16xi32>
      %gt3A_69 = arith.cmpi sgt, %add3A_64, %gt3A : vector<16xi32>
      %jit3A = arith.constant 2048 : i32
      %broadcast_in_dim3A_70 = vector.broadcast %jit3A : i32 to vector<16xi32>
      %select_n3A_71 = arith.select %gt3A_69, %add3A_68, %broadcast_in_dim3A_70 : vector<16xi1>, vector<16xi32>
      %min3A_72 = arith.minsi %scan3A_58, %select_n3A_71 : vector<16xi32>
      scf.yield %min3A_72 : vector<16xi32>
    }
    %scan3A_39 = arith.constant 128 : i32
    %reduce_min3A = arith.constant true
    %reduce_min3A_40 = vector.broadcast %reduce_min3A : i1 to vector<16xi1>
    %reduce_min3A_41 = arith.constant -2147483648 : i32
    %reduce_min3A_42 = vector.broadcast %reduce_min3A_41 : i32 to vector<16xi32>
    %reduce_min3A_43 = arith.xori %scan3A_38, %reduce_min3A_42 : vector<16xi32>
    %reduce_min3A_44 = tpu.scan <min>, %reduce_min3A_43 masked %reduce_min3A_40 : vector<16xi32>, vector<16xi1> -> vector<16xi32>
    %reduce_min3A_45 = arith.xori %reduce_min3A_44, %reduce_min3A_42 : vector<16xi32>
    %reduce_min3A_46 = vector.extract %reduce_min3A_45[15] : i32 from vector<16xi32>
    %lt3A = arith.constant 2048 : i32
    %lt3A_47 = arith.cmpi slt, %reduce_min3A_46, %lt3A : i32
    %min3A = arith.constant 2047 : i32
    %min3A_48 = arith.minsi %reduce_min3A_46, %min3A : i32
    %broadcast_in_dim3A_49 = vector.broadcast %min3A_48 : i32 to vector<16xi32>
    %gather3A = tpu.vector_load_idx %arg18[%broadcast_in_dim3A_49] : memref<2048xi32, #tpu.memory_space<vmem>>[vector<16xi32>], vector<16xi32>,
    %reduce_max3A = arith.constant true
    %reduce_max3A_50 = vector.broadcast %reduce_max3A : i1 to vector<16xi1>
    %reduce_max3A_51 = arith.constant -2147483648 : i32
    %reduce_max3A_52 = vector.broadcast %reduce_max3A_51 : i32 to vector<16xi32>
    %reduce_max3A_53 = arith.xori %gather3A, %reduce_max3A_52 : vector<16xi32>
    %reduce_max3A_54 = tpu.scan <max>, %reduce_max3A_53 masked %reduce_max3A_50 : vector<16xi32>, vector<16xi1> -> vector<16xi32>
    %reduce_max3A_55 = arith.xori %reduce_max3A_54, %reduce_max3A_52 : vector<16xi32>
    %reduce_max3A_56 = vector.extract %reduce_max3A_55[15] : i32 from vector<16xi32>
    %select_n3A = arith.select %lt3A_47, %reduce_max3A_56, %add3A_16 : i32
    %while3A:2 = scf.while (%while3A_57 = %reduce_min3A_46, %while3A_58 = %select_n3A) : (i32, i32) -> (i32, i32) {
      %lt3A_59 = arith.constant 2048 : i32
      %lt3A_60 = arith.cmpi slt, %while3A_57, %lt3A_59 : i32
      %lt3A_61 = arith.cmpi slt, %while3A_58, %add3A_16 : i32
      %and3A = arith.andi %lt3A_60, %lt3A_61 : i1
      scf.condition(%and3A) %while3A_57, %while3A_58 : i32, i32
    } do {
    ^bb0(%while3A_57: i32, %while3A_58: i32):
      %broadcast_in_dim3A_59 = vector.broadcast %while3A_57 : i32 to vector<16xi32>
      %gather3A_60 = tpu.vector_load_idx %arg13[%broadcast_in_dim3A_59] : memref<2048xf32, #tpu.memory_space<vmem>>[vector<16xi32>], vector<16xf32>,
      %gather3A_61 = tpu.vector_load_idx %arg14[%broadcast_in_dim3A_59] : memref<2048xf32, #tpu.memory_space<vmem>>[vector<16xi32>], vector<16xf32>,
      %gather3A_62 = tpu.vector_load_idx %arg15[%broadcast_in_dim3A_59] : memref<2048xf32, #tpu.memory_space<vmem>>[vector<16xi32>], vector<16xf32>,
      %gather3A_63 = tpu.vector_load_idx %arg16[%broadcast_in_dim3A_59] : memref<2048xi32, #tpu.memory_space<vmem>>[vector<16xi32>], vector<16xi32>,
      %gather3A_64 = tpu.vector_load_idx %arg19[%gather3A_63] : memref<16xi32, #tpu.memory_space<vmem>>[vector<16xi32>], vector<16xi32>,
      %reduce_max3A_65 = arith.constant true
      %reduce_max3A_66 = vector.broadcast %reduce_max3A_65 : i1 to vector<16xi1>
      %reduce_max3A_67 = arith.constant -2147483648 : i32
      %reduce_max3A_68 = vector.broadcast %reduce_max3A_67 : i32 to vector<16xi32>
      %reduce_max3A_69 = arith.xori %gather3A_64, %reduce_max3A_68 : vector<16xi32>
      %reduce_max3A_70 = tpu.scan <max>, %reduce_max3A_69 masked %reduce_max3A_66 : vector<16xi32>, vector<16xi1> -> vector<16xi32>
      %reduce_max3A_71 = arith.xori %reduce_max3A_70, %reduce_max3A_68 : vector<16xi32>
      %reduce_max3A_72 = vector.extract %reduce_max3A_71[15] : i32 from vector<16xi32>
      %gather3A_73 = tpu.vector_load_idx %arg20[%gather3A_63] : memref<16xi32, #tpu.memory_space<vmem>>[vector<16xi32>], vector<16xi32>,
      %reduce_max3A_74 = arith.constant true
      %reduce_max3A_75 = vector.broadcast %reduce_max3A_74 : i1 to vector<16xi1>
      %reduce_max3A_76 = arith.constant -2147483648 : i32
      %reduce_max3A_77 = vector.broadcast %reduce_max3A_76 : i32 to vector<16xi32>
      %reduce_max3A_78 = arith.xori %gather3A_73, %reduce_max3A_77 : vector<16xi32>
      %reduce_max3A_79 = tpu.scan <max>, %reduce_max3A_78 masked %reduce_max3A_75 : vector<16xi32>, vector<16xi1> -> vector<16xi32>
      %reduce_max3A_80 = arith.xori %reduce_max3A_79, %reduce_max3A_77 : vector<16xi32>
      %reduce_max3A_81 = vector.extract %reduce_max3A_80[15] : i32 from vector<16xi32>
      %jit3A = arith.constant 16 : i32
      %div3A = arith.divsi %reduce_max3A_72, %jit3A : i32
      %sign3A = arith.constant 0 : i32
      %sign3A_82 = arith.cmpi sgt, %reduce_max3A_72, %sign3A : i32
      %sign3A_83 = arith.extui %sign3A_82 : i1 to i32
      %sign3A_84 = arith.constant 0 : i32
      %sign3A_85 = arith.cmpi slt, %reduce_max3A_72, %sign3A_84 : i32
      %sign3A_86 = arith.extui %sign3A_85 : i1 to i32
      %sign3A_87 = arith.subi %sign3A_83, %sign3A_86 : i32
      %sign3A_88 = arith.constant 0 : i32
      %sign3A_89 = arith.cmpi sgt, %jit3A, %sign3A_88 : i32
      %sign3A_90 = arith.extui %sign3A_89 : i1 to i32
      %sign3A_91 = arith.constant 0 : i32
      %sign3A_92 = arith.cmpi slt, %jit3A, %sign3A_91 : i32
      %sign3A_93 = arith.extui %sign3A_92 : i1 to i32
      %sign3A_94 = arith.subi %sign3A_90, %sign3A_93 : i32
      %ne3A = arith.cmpi ne, %sign3A_87, %sign3A_94 : i32
      %rem3A = arith.remsi %reduce_max3A_72, %jit3A : i32
      %ne3A_95 = arith.constant 0 : i32
      %ne3A_96 = arith.cmpi ne, %rem3A, %ne3A_95 : i32
      %and3A = arith.andi %ne3A, %ne3A_96 : i1
      %sub3A = arith.constant 1 : i32
      %sub3A_97 = arith.subi %div3A, %sub3A : i32
      %select_n3A_98 = arith.select %and3A, %sub3A_97, %div3A : i32
      %add3A_99 = arith.constant 16 : i32
      %add3A_100 = arith.addi %reduce_max3A_81, %add3A_99 : i32
      %sub3A_101 = arith.constant 1 : i32
      %sub3A_102 = arith.subi %add3A_100, %sub3A_101 : i32
      %jit3A_103 = arith.constant 16 : i32
      %div3A_104 = arith.divsi %sub3A_102, %jit3A_103 : i32
      %sign3A_105 = arith.constant 0 : i32
      %sign3A_106 = arith.cmpi sgt, %sub3A_102, %sign3A_105 : i32
      %sign3A_107 = arith.extui %sign3A_106 : i1 to i32
      %sign3A_108 = arith.constant 0 : i32
      %sign3A_109 = arith.cmpi slt, %sub3A_102, %sign3A_108 : i32
      %sign3A_110 = arith.extui %sign3A_109 : i1 to i32
      %sign3A_111 = arith.subi %sign3A_107, %sign3A_110 : i32
      %sign3A_112 = arith.constant 0 : i32
      %sign3A_113 = arith.cmpi sgt, %jit3A_103, %sign3A_112 : i32
      %sign3A_114 = arith.extui %sign3A_113 : i1 to i32
      %sign3A_115 = arith.constant 0 : i32
      %sign3A_116 = arith.cmpi slt, %jit3A_103, %sign3A_115 : i32
      %sign3A_117 = arith.extui %sign3A_116 : i1 to i32
      %sign3A_118 = arith.subi %sign3A_114, %sign3A_117 : i32
      %ne3A_119 = arith.cmpi ne, %sign3A_111, %sign3A_118 : i32
      %rem3A_120 = arith.remsi %sub3A_102, %jit3A_103 : i32
      %ne3A_121 = arith.constant 0 : i32
      %ne3A_122 = arith.cmpi ne, %rem3A_120, %ne3A_121 : i32
      %and3A_123 = arith.andi %ne3A_119, %ne3A_122 : i1
      %sub3A_124 = arith.constant 1 : i32
      %sub3A_125 = arith.subi %div3A_104, %sub3A_124 : i32
      %select_n3A_126 = arith.select %and3A_123, %sub3A_125, %div3A_104 : i32
      %sub3A_127 = arith.subi %while3A_58, %mul3A_14 : i32
      %add3A_128 = arith.constant 2048 : i32
      %add3A_129 = arith.addi %sub3A_127, %add3A_128 : i32
      %broadcast_in_dim3A_130 = vector.broadcast %add3A_129 : i32 to vector<16xi32>
      %parallel_loop3A_131 = arith.constant 1 : i32
      %parallel_loop3A_132 = scf.for %parallel_loop3A_137 = %select_n3A_98 to %select_n3A_126 step %parallel_loop3A_131 iter_args(%parallel_loop3A_138 = %broadcast_in_dim3A_130) -> (vector<16xi32>)  : i32 {
        %parallel_loop3A_139 = arith.constant 16 : i32
        %parallel_loop3A_140 = arith.muli %parallel_loop3A_137, %parallel_loop3A_139 : i32
        %parallel_loop3A_141 = arith.index_cast %parallel_loop3A_140 : i32 to index
        %parallel_loop3A_142 = tpu.vector_load %arg13[%parallel_loop3A_141] {strides = array<i32>} : memref<2048xf32, #tpu.memory_space<vmem>>, vector<16xf32>,
        %parallel_loop3A_143 = arith.subf %gather3A_60, %parallel_loop3A_142 : vector<16xf32>
        %parallel_loop3A_144 = arith.index_cast %parallel_loop3A_140 : i32 to index
        %parallel_loop3A_145 = tpu.vector_load %arg14[%parallel_loop3A_144] {strides = array<i32>} : memref<2048xf32, #tpu.memory_space<vmem>>, vector<16xf32>,
        %parallel_loop3A_146 = arith.subf %gather3A_61, %parallel_loop3A_145 : vector<16xf32>
        %parallel_loop3A_147 = arith.index_cast %parallel_loop3A_140 : i32 to index
        %parallel_loop3A_148 = tpu.vector_load %arg15[%parallel_loop3A_147] {strides = array<i32>} : memref<2048xf32, #tpu.memory_space<vmem>>, vector<16xf32>,
        %parallel_loop3A_149 = arith.subf %gather3A_62, %parallel_loop3A_148 : vector<16xf32>
        %parallel_loop3A_150 = arith.mulf %parallel_loop3A_143, %parallel_loop3A_143 : vector<16xf32>
        %parallel_loop3A_151 = arith.mulf %parallel_loop3A_146, %parallel_loop3A_146 : vector<16xf32>
        %parallel_loop3A_152 = arith.addf %parallel_loop3A_150, %parallel_loop3A_151 : vector<16xf32>
        %parallel_loop3A_153 = arith.mulf %parallel_loop3A_149, %parallel_loop3A_149 : vector<16xf32>
        %parallel_loop3A_154 = arith.addf %parallel_loop3A_152, %parallel_loop3A_153 : vector<16xf32>
        %parallel_loop3A_155 = arith.constant 16 : i32
        %parallel_loop3A_156 = arith.muli %parallel_loop3A_137, %parallel_loop3A_155 : i32
        %parallel_loop3A_157 = tpu.iota {dimensions = array<i32: 0>} : vector<16xi32>
        %parallel_loop3A_158 = vector.broadcast %parallel_loop3A_156 : i32 to vector<16xi32>
        %parallel_loop3A_159 = arith.addi %parallel_loop3A_158, %parallel_loop3A_157 : vector<16xi32>
        %parallel_loop3A_160 = arith.constant 2.500000e+01 : f32
        %parallel_loop3A_161 = vector.broadcast %parallel_loop3A_160 : f32 to vector<16xf32>
        %parallel_loop3A_162 = arith.cmpf olt, %parallel_loop3A_154, %parallel_loop3A_161 : vector<16xf32>
        %parallel_loop3A_163 = arith.index_cast %parallel_loop3A_140 : i32 to index
        %parallel_loop3A_164 = tpu.vector_load %arg16[%parallel_loop3A_163] {strides = array<i32>} : memref<2048xi32, #tpu.memory_space<vmem>>, vector<16xi32>,
        %parallel_loop3A_165 = arith.cmpi eq, %parallel_loop3A_164, %gather3A_63 : vector<16xi32>
        %parallel_loop3A_166 = arith.andi %parallel_loop3A_162, %parallel_loop3A_165 : vector<16xi1>
        %parallel_loop3A_167 = arith.cmpi ne, %parallel_loop3A_159, %broadcast_in_dim3A_59 : vector<16xi32>
        %parallel_loop3A_168 = arith.andi %parallel_loop3A_166, %parallel_loop3A_167 : vector<16xi1>
        %parallel_loop3A_169 = arith.constant 1.000000e-30 : f32
        %parallel_loop3A_170 = vector.broadcast %parallel_loop3A_169 : f32 to vector<16xf32>
        %parallel_loop3A_171 = arith.maximumf %parallel_loop3A_154, %parallel_loop3A_170 : vector<16xf32>
        %parallel_loop3A_172 = tpu.bitcast %parallel_loop3A_171 : vector<16xf32> -> vector<16xi32>
        %parallel_loop3A_173 = arith.constant 1 : i32
        %parallel_loop3A_174 = vector.broadcast %parallel_loop3A_173 : i32 to vector<16xi32>
        %parallel_loop3A_175 = arith.shrsi %parallel_loop3A_172, %parallel_loop3A_174 : vector<16xi32>
        %parallel_loop3A_176 = arith.constant 1597463007 : i32
        %parallel_loop3A_177 = vector.broadcast %parallel_loop3A_176 : i32 to vector<16xi32>
        %parallel_loop3A_178 = arith.subi %parallel_loop3A_177, %parallel_loop3A_175 : vector<16xi32>
        %parallel_loop3A_179 = tpu.bitcast %parallel_loop3A_178 : vector<16xi32> -> vector<16xf32>
        %parallel_loop3A_180 = arith.constant 5.000000e-01 : f32
        %parallel_loop3A_181 = vector.broadcast %parallel_loop3A_180 : f32 to vector<16xf32>
        %parallel_loop3A_182 = arith.mulf %parallel_loop3A_181, %parallel_loop3A_171 : vector<16xf32>
        %parallel_loop3A_183 = arith.mulf %parallel_loop3A_182, %parallel_loop3A_179 : vector<16xf32>
        %parallel_loop3A_184 = arith.mulf %parallel_loop3A_183, %parallel_loop3A_179 : vector<16xf32>
        %parallel_loop3A_185 = arith.constant 1.500000e+00 : f32
        %parallel_loop3A_186 = vector.broadcast %parallel_loop3A_185 : f32 to vector<16xf32>
        %parallel_loop3A_187 = arith.subf %parallel_loop3A_186, %parallel_loop3A_184 : vector<16xf32>
        %parallel_loop3A_188 = arith.mulf %parallel_loop3A_179, %parallel_loop3A_187 : vector<16xf32>
        %parallel_loop3A_189 = arith.constant 5.000000e-01 : f32
        %parallel_loop3A_190 = vector.broadcast %parallel_loop3A_189 : f32 to vector<16xf32>
        %parallel_loop3A_191 = arith.mulf %parallel_loop3A_190, %parallel_loop3A_171 : vector<16xf32>
        %parallel_loop3A_192 = arith.mulf %parallel_loop3A_191, %parallel_loop3A_188 : vector<16xf32>
        %parallel_loop3A_193 = arith.mulf %parallel_loop3A_192, %parallel_loop3A_188 : vector<16xf32>
        %parallel_loop3A_194 = arith.constant 1.500000e+00 : f32
        %parallel_loop3A_195 = vector.broadcast %parallel_loop3A_194 : f32 to vector<16xf32>
        %parallel_loop3A_196 = arith.subf %parallel_loop3A_195, %parallel_loop3A_193 : vector<16xf32>
        %parallel_loop3A_197 = arith.mulf %parallel_loop3A_188, %parallel_loop3A_196 : vector<16xf32>
        %parallel_loop3A_198 = arith.constant 5.000000e-01 : f32
        %parallel_loop3A_199 = vector.broadcast %parallel_loop3A_198 : f32 to vector<16xf32>
        %parallel_loop3A_200 = arith.mulf %parallel_loop3A_199, %parallel_loop3A_171 : vector<16xf32>
        %parallel_loop3A_201 = arith.mulf %parallel_loop3A_200, %parallel_loop3A_197 : vector<16xf32>
        %parallel_loop3A_202 = arith.mulf %parallel_loop3A_201, %parallel_loop3A_197 : vector<16xf32>
        %parallel_loop3A_203 = arith.constant 1.500000e+00 : f32
        %parallel_loop3A_204 = vector.broadcast %parallel_loop3A_203 : f32 to vector<16xf32>
        %parallel_loop3A_205 = arith.subf %parallel_loop3A_204, %parallel_loop3A_202 : vector<16xf32>
        %parallel_loop3A_206 = arith.mulf %parallel_loop3A_197, %parallel_loop3A_205 : vector<16xf32>
        %parallel_loop3A_207 = arith.mulf %parallel_loop3A_154, %parallel_loop3A_206 : vector<16xf32>
        %parallel_loop3A_208 = arith.extui %parallel_loop3A_168 : vector<16xi1> to vector<16xi32>
        %parallel_loop3A_209 = arith.constant true
        %parallel_loop3A_210 = vector.broadcast %parallel_loop3A_209 : i1 to vector<16xi1>
        %parallel_loop3A_211 = tpu.scan <sum>, %parallel_loop3A_208 masked %parallel_loop3A_210 : vector<16xi32>, vector<16xi1> -> vector<16xi32>
        %parallel_loop3A_212 = arith.addi %parallel_loop3A_138, %parallel_loop3A_211 : vector<16xi32>
        %parallel_loop3A_213 = arith.constant 1 : i32
        %parallel_loop3A_214 = vector.broadcast %parallel_loop3A_213 : i32 to vector<16xi32>
        %parallel_loop3A_215 = arith.subi %parallel_loop3A_212, %parallel_loop3A_214 : vector<16xi32>
        tpu.vector_store_idx %arg21[%parallel_loop3A_215], %broadcast_in_dim3A_59 masked %parallel_loop3A_168 : memref<10256xi32, #tpu.memory_space<vmem>>[vector<16xi32>], vector<16xi32>, vector<16xi1>
        tpu.vector_store_idx %arg22[%parallel_loop3A_215], %parallel_loop3A_159 masked %parallel_loop3A_168 : memref<10256xi32, #tpu.memory_space<vmem>>[vector<16xi32>], vector<16xi32>, vector<16xi1>
        tpu.vector_store_idx %arg23[%parallel_loop3A_215], %parallel_loop3A_207 masked %parallel_loop3A_168 : memref<10256xf32, #tpu.memory_space<vmem>>[vector<16xi32>], vector<16xf32>, vector<16xi1>
        tpu.vector_store_idx %arg24[%parallel_loop3A_215], %parallel_loop3A_143 masked %parallel_loop3A_168 : memref<10256xf32, #tpu.memory_space<vmem>>[vector<16xi32>], vector<16xf32>, vector<16xi1>
        tpu.vector_store_idx %arg25[%parallel_loop3A_215], %parallel_loop3A_146 masked %parallel_loop3A_168 : memref<10256xf32, #tpu.memory_space<vmem>>[vector<16xi32>], vector<16xf32>, vector<16xi1>
        tpu.vector_store_idx %arg26[%parallel_loop3A_215], %parallel_loop3A_149 masked %parallel_loop3A_168 : memref<10256xf32, #tpu.memory_space<vmem>>[vector<16xi32>], vector<16xf32>, vector<16xi1>
        %parallel_loop3A_216 = tpu.all_reduce %parallel_loop3A_168 {dim = 0 : i64, kind = #tpu.reduction_kind<sum>} : vector<16xi1> -> vector<16xi32>
        %parallel_loop3A_217 = arith.addi %parallel_loop3A_138, %parallel_loop3A_216 : vector<16xi32>
        scf.yield %parallel_loop3A_217 : vector<16xi32>
      } {sc.loop_unroll_factor = 1 : i64, sc.parallel_access}
      %add3A_133 = arith.constant 1 : i32
      %add3A_134 = arith.addi %while3A_57, %add3A_133 : i32
      %sub3A_135 = arith.subi %parallel_loop3A_132, %broadcast_in_dim3A_130 : vector<16xi32>
      %slice3A = vector.extract_strided_slice %sub3A_135 {offsets = [0], sizes = [1], strides = [1]} : vector<16xi32> to vector<1xi32>
      %squeeze3A = vector.extract %slice3A[0] : i32 from vector<1xi32>
      %add3A_136 = arith.addi %while3A_58, %squeeze3A : i32
      scf.yield %add3A_134, %add3A_136 : i32, i32
    }
    "tpu.region"() ({
      %run_scoped3A = tpu.sem_alloc : memref<!tpu.dma_semaphore, #tpu.memory_space<semaphore_mem>>
      %dma_start3A = arith.constant 2048 : i32
      %dma_start3A_57 = tpu.memref_slice %arg21[%dma_start3A] : memref<10256xi32, #tpu.memory_space<vmem>> -> memref<4096xi32, #tpu.memory_space<vmem>>
      %dma_start3A_58 = tpu.memref_slice %arg7[%mul3A_14] : memref<131072xi32, #tpu.memory_space<hbm>> -> memref<4096xi32, #tpu.memory_space<hbm>>
      %dma_start3A_59 = tpu.memref_slice %arg7[%mul3A_14] : memref<131072xi32, #tpu.memory_space<hbm>> -> memref<4096xi32, #tpu.memory_space<hbm>>
      %dma_start3A_60 = arith.constant 2048 : i32
      %dma_start3A_61 = tpu.memref_slice %arg21[%dma_start3A_60] : memref<10256xi32, #tpu.memory_space<vmem>> -> memref<4096xi32, #tpu.memory_space<vmem>>
      tpu.enqueue_dma source(%dma_start3A_61 : memref<4096xi32, #tpu.memory_space<vmem>>) target(%dma_start3A_59 : memref<4096xi32, #tpu.memory_space<hbm>>) target_semaphore(%run_scoped3A : memref<!tpu.dma_semaphore, #tpu.memory_space<semaphore_mem>>)
      %dma_wait3A = arith.constant 2048 : i32
      %dma_wait3A_62 = tpu.memref_slice %arg21[%dma_wait3A] : memref<10256xi32, #tpu.memory_space<vmem>> -> memref<4096xi32, #tpu.memory_space<vmem>>
      %dma_wait3A_63 = tpu.memref_slice %arg7[%mul3A_14] : memref<131072xi32, #tpu.memory_space<hbm>> -> memref<4096xi32, #tpu.memory_space<hbm>>
      %dma_wait3A_64 = tpu.memref_slice %arg7[%mul3A_14] : memref<131072xi32, #tpu.memory_space<hbm>> -> memref<4096xi32, #tpu.memory_space<hbm>>
      %dma_wait3A_65 = arith.constant 2048 : i32
      %dma_wait3A_66 = tpu.memref_slice %arg21[%dma_wait3A_65] : memref<10256xi32, #tpu.memory_space<vmem>> -> memref<4096xi32, #tpu.memory_space<vmem>>
      tpu.wait_dma2 semaphore(%run_scoped3A : memref<!tpu.dma_semaphore, #tpu.memory_space<semaphore_mem>>) src(%dma_wait3A_66 : memref<4096xi32, #tpu.memory_space<vmem>>) dst(%dma_wait3A_64 : memref<4096xi32, #tpu.memory_space<hbm>>)
      tpu.yield
    }) : () -> ()
    "tpu.region"() ({
      %run_scoped3A = tpu.sem_alloc : memref<!tpu.dma_semaphore, #tpu.memory_space<semaphore_mem>>
      %dma_start3A = arith.constant 2048 : i32
      %dma_start3A_57 = tpu.memref_slice %arg22[%dma_start3A] : memref<10256xi32, #tpu.memory_space<vmem>> -> memref<4096xi32, #tpu.memory_space<vmem>>
      %dma_start3A_58 = tpu.memref_slice %arg8[%mul3A_14] : memref<131072xi32, #tpu.memory_space<hbm>> -> memref<4096xi32, #tpu.memory_space<hbm>>
      %dma_start3A_59 = tpu.memref_slice %arg8[%mul3A_14] : memref<131072xi32, #tpu.memory_space<hbm>> -> memref<4096xi32, #tpu.memory_space<hbm>>
      %dma_start3A_60 = arith.constant 2048 : i32
      %dma_start3A_61 = tpu.memref_slice %arg22[%dma_start3A_60] : memref<10256xi32, #tpu.memory_space<vmem>> -> memref<4096xi32, #tpu.memory_space<vmem>>
      tpu.enqueue_dma source(%dma_start3A_61 : memref<4096xi32, #tpu.memory_space<vmem>>) target(%dma_start3A_59 : memref<4096xi32, #tpu.memory_space<hbm>>) target_semaphore(%run_scoped3A : memref<!tpu.dma_semaphore, #tpu.memory_space<semaphore_mem>>)
      %dma_wait3A = arith.constant 2048 : i32
      %dma_wait3A_62 = tpu.memref_slice %arg22[%dma_wait3A] : memref<10256xi32, #tpu.memory_space<vmem>> -> memref<4096xi32, #tpu.memory_space<vmem>>
      %dma_wait3A_63 = tpu.memref_slice %arg8[%mul3A_14] : memref<131072xi32, #tpu.memory_space<hbm>> -> memref<4096xi32, #tpu.memory_space<hbm>>
      %dma_wait3A_64 = tpu.memref_slice %arg8[%mul3A_14] : memref<131072xi32, #tpu.memory_space<hbm>> -> memref<4096xi32, #tpu.memory_space<hbm>>
      %dma_wait3A_65 = arith.constant 2048 : i32
      %dma_wait3A_66 = tpu.memref_slice %arg22[%dma_wait3A_65] : memref<10256xi32, #tpu.memory_space<vmem>> -> memref<4096xi32, #tpu.memory_space<vmem>>
      tpu.wait_dma2 semaphore(%run_scoped3A : memref<!tpu.dma_semaphore, #tpu.memory_space<semaphore_mem>>) src(%dma_wait3A_66 : memref<4096xi32, #tpu.memory_space<vmem>>) dst(%dma_wait3A_64 : memref<4096xi32, #tpu.memory_space<hbm>>)
      tpu.yield
    }) : () -> ()
    "tpu.region"() ({
      %run_scoped3A = tpu.sem_alloc : memref<!tpu.dma_semaphore, #tpu.memory_space<semaphore_mem>>
      %dma_start3A = arith.constant 2048 : i32
      %dma_start3A_57 = tpu.memref_slice %arg23[%dma_start3A] : memref<10256xf32, #tpu.memory_space<vmem>> -> memref<4096xf32, #tpu.memory_space<vmem>>
      %dma_start3A_58 = tpu.memref_slice %arg9[%mul3A_14] : memref<131072xf32, #tpu.memory_space<hbm>> -> memref<4096xf32, #tpu.memory_space<hbm>>
      %dma_start3A_59 = tpu.memref_slice %arg9[%mul3A_14] : memref<131072xf32, #tpu.memory_space<hbm>> -> memref<4096xf32, #tpu.memory_space<hbm>>
      %dma_start3A_60 = arith.constant 2048 : i32
      %dma_start3A_61 = tpu.memref_slice %arg23[%dma_start3A_60] : memref<10256xf32, #tpu.memory_space<vmem>> -> memref<4096xf32, #tpu.memory_space<vmem>>
      tpu.enqueue_dma source(%dma_start3A_61 : memref<4096xf32, #tpu.memory_space<vmem>>) target(%dma_start3A_59 : memref<4096xf32, #tpu.memory_space<hbm>>) target_semaphore(%run_scoped3A : memref<!tpu.dma_semaphore, #tpu.memory_space<semaphore_mem>>)
      %dma_wait3A = arith.constant 2048 : i32
      %dma_wait3A_62 = tpu.memref_slice %arg23[%dma_wait3A] : memref<10256xf32, #tpu.memory_space<vmem>> -> memref<4096xf32, #tpu.memory_space<vmem>>
      %dma_wait3A_63 = tpu.memref_slice %arg9[%mul3A_14] : memref<131072xf32, #tpu.memory_space<hbm>> -> memref<4096xf32, #tpu.memory_space<hbm>>
      %dma_wait3A_64 = tpu.memref_slice %arg9[%mul3A_14] : memref<131072xf32, #tpu.memory_space<hbm>> -> memref<4096xf32, #tpu.memory_space<hbm>>
      %dma_wait3A_65 = arith.constant 2048 : i32
      %dma_wait3A_66 = tpu.memref_slice %arg23[%dma_wait3A_65] : memref<10256xf32, #tpu.memory_space<vmem>> -> memref<4096xf32, #tpu.memory_space<vmem>>
      tpu.wait_dma2 semaphore(%run_scoped3A : memref<!tpu.dma_semaphore, #tpu.memory_space<semaphore_mem>>) src(%dma_wait3A_66 : memref<4096xf32, #tpu.memory_space<vmem>>) dst(%dma_wait3A_64 : memref<4096xf32, #tpu.memory_space<hbm>>)
      tpu.yield
    }) : () -> ()
    "tpu.region"() ({
      %run_scoped3A = tpu.sem_alloc : memref<!tpu.dma_semaphore, #tpu.memory_space<semaphore_mem>>
      %dma_start3A = arith.constant 2048 : i32
      %dma_start3A_57 = tpu.memref_slice %arg24[%dma_start3A] : memref<10256xf32, #tpu.memory_space<vmem>> -> memref<4096xf32, #tpu.memory_space<vmem>>
      %dma_start3A_58 = tpu.memref_slice %arg10[%mul3A_14] : memref<131072xf32, #tpu.memory_space<hbm>> -> memref<4096xf32, #tpu.memory_space<hbm>>
      %dma_start3A_59 = tpu.memref_slice %arg10[%mul3A_14] : memref<131072xf32, #tpu.memory_space<hbm>> -> memref<4096xf32, #tpu.memory_space<hbm>>
      %dma_start3A_60 = arith.constant 2048 : i32
      %dma_start3A_61 = tpu.memref_slice %arg24[%dma_start3A_60] : memref<10256xf32, #tpu.memory_space<vmem>> -> memref<4096xf32, #tpu.memory_space<vmem>>
      tpu.enqueue_dma source(%dma_start3A_61 : memref<4096xf32, #tpu.memory_space<vmem>>) target(%dma_start3A_59 : memref<4096xf32, #tpu.memory_space<hbm>>) target_semaphore(%run_scoped3A : memref<!tpu.dma_semaphore, #tpu.memory_space<semaphore_mem>>)
      %dma_wait3A = arith.constant 2048 : i32
      %dma_wait3A_62 = tpu.memref_slice %arg24[%dma_wait3A] : memref<10256xf32, #tpu.memory_space<vmem>> -> memref<4096xf32, #tpu.memory_space<vmem>>
      %dma_wait3A_63 = tpu.memref_slice %arg10[%mul3A_14] : memref<131072xf32, #tpu.memory_space<hbm>> -> memref<4096xf32, #tpu.memory_space<hbm>>
      %dma_wait3A_64 = tpu.memref_slice %arg10[%mul3A_14] : memref<131072xf32, #tpu.memory_space<hbm>> -> memref<4096xf32, #tpu.memory_space<hbm>>
      %dma_wait3A_65 = arith.constant 2048 : i32
      %dma_wait3A_66 = tpu.memref_slice %arg24[%dma_wait3A_65] : memref<10256xf32, #tpu.memory_space<vmem>> -> memref<4096xf32, #tpu.memory_space<vmem>>
      tpu.wait_dma2 semaphore(%run_scoped3A : memref<!tpu.dma_semaphore, #tpu.memory_space<semaphore_mem>>) src(%dma_wait3A_66 : memref<4096xf32, #tpu.memory_space<vmem>>) dst(%dma_wait3A_64 : memref<4096xf32, #tpu.memory_space<hbm>>)
      tpu.yield
    }) : () -> ()
    "tpu.region"() ({
      %run_scoped3A = tpu.sem_alloc : memref<!tpu.dma_semaphore, #tpu.memory_space<semaphore_mem>>
      %dma_start3A = arith.constant 2048 : i32
      %dma_start3A_57 = tpu.memref_slice %arg25[%dma_start3A] : memref<10256xf32, #tpu.memory_space<vmem>> -> memref<4096xf32, #tpu.memory_space<vmem>>
      %dma_start3A_58 = tpu.memref_slice %arg11[%mul3A_14] : memref<131072xf32, #tpu.memory_space<hbm>> -> memref<4096xf32, #tpu.memory_space<hbm>>
      %dma_start3A_59 = tpu.memref_slice %arg11[%mul3A_14] : memref<131072xf32, #tpu.memory_space<hbm>> -> memref<4096xf32, #tpu.memory_space<hbm>>
      %dma_start3A_60 = arith.constant 2048 : i32
      %dma_start3A_61 = tpu.memref_slice %arg25[%dma_start3A_60] : memref<10256xf32, #tpu.memory_space<vmem>> -> memref<4096xf32, #tpu.memory_space<vmem>>
      tpu.enqueue_dma source(%dma_start3A_61 : memref<4096xf32, #tpu.memory_space<vmem>>) target(%dma_start3A_59 : memref<4096xf32, #tpu.memory_space<hbm>>) target_semaphore(%run_scoped3A : memref<!tpu.dma_semaphore, #tpu.memory_space<semaphore_mem>>)
      %dma_wait3A = arith.constant 2048 : i32
      %dma_wait3A_62 = tpu.memref_slice %arg25[%dma_wait3A] : memref<10256xf32, #tpu.memory_space<vmem>> -> memref<4096xf32, #tpu.memory_space<vmem>>
      %dma_wait3A_63 = tpu.memref_slice %arg11[%mul3A_14] : memref<131072xf32, #tpu.memory_space<hbm>> -> memref<4096xf32, #tpu.memory_space<hbm>>
      %dma_wait3A_64 = tpu.memref_slice %arg11[%mul3A_14] : memref<131072xf32, #tpu.memory_space<hbm>> -> memref<4096xf32, #tpu.memory_space<hbm>>
      %dma_wait3A_65 = arith.constant 2048 : i32
      %dma_wait3A_66 = tpu.memref_slice %arg25[%dma_wait3A_65] : memref<10256xf32, #tpu.memory_space<vmem>> -> memref<4096xf32, #tpu.memory_space<vmem>>
      tpu.wait_dma2 semaphore(%run_scoped3A : memref<!tpu.dma_semaphore, #tpu.memory_space<semaphore_mem>>) src(%dma_wait3A_66 : memref<4096xf32, #tpu.memory_space<vmem>>) dst(%dma_wait3A_64 : memref<4096xf32, #tpu.memory_space<hbm>>)
      tpu.yield
    }) : () -> ()
    "tpu.region"() ({
      %run_scoped3A = tpu.sem_alloc : memref<!tpu.dma_semaphore, #tpu.memory_space<semaphore_mem>>
      %dma_start3A = arith.constant 2048 : i32
      %dma_start3A_57 = tpu.memref_slice %arg26[%dma_start3A] : memref<10256xf32, #tpu.memory_space<vmem>> -> memref<4096xf32, #tpu.memory_space<vmem>>
      %dma_start3A_58 = tpu.memref_slice %arg12[%mul3A_14] : memref<131072xf32, #tpu.memory_space<hbm>> -> memref<4096xf32, #tpu.memory_space<hbm>>
      %dma_start3A_59 = tpu.memref_slice %arg12[%mul3A_14] : memref<131072xf32, #tpu.memory_space<hbm>> -> memref<4096xf32, #tpu.memory_space<hbm>>
      %dma_start3A_60 = arith.constant 2048 : i32
      %dma_start3A_61 = tpu.memref_slice %arg26[%dma_start3A_60] : memref<10256xf32, #tpu.memory_space<vmem>> -> memref<4096xf32, #tpu.memory_space<vmem>>
      tpu.enqueue_dma source(%dma_start3A_61 : memref<4096xf32, #tpu.memory_space<vmem>>) target(%dma_start3A_59 : memref<4096xf32, #tpu.memory_space<hbm>>) target_semaphore(%run_scoped3A : memref<!tpu.dma_semaphore, #tpu.memory_space<semaphore_mem>>)
      %dma_wait3A = arith.constant 2048 : i32
      %dma_wait3A_62 = tpu.memref_slice %arg26[%dma_wait3A] : memref<10256xf32, #tpu.memory_space<vmem>> -> memref<4096xf32, #tpu.memory_space<vmem>>
      %dma_wait3A_63 = tpu.memref_slice %arg12[%mul3A_14] : memref<131072xf32, #tpu.memory_space<hbm>> -> memref<4096xf32, #tpu.memory_space<hbm>>
      %dma_wait3A_64 = tpu.memref_slice %arg12[%mul3A_14] : memref<131072xf32, #tpu.memory_space<hbm>> -> memref<4096xf32, #tpu.memory_space<hbm>>
      %dma_wait3A_65 = arith.constant 2048 : i32
      %dma_wait3A_66 = tpu.memref_slice %arg26[%dma_wait3A_65] : memref<10256xf32, #tpu.memory_space<vmem>> -> memref<4096xf32, #tpu.memory_space<vmem>>
      tpu.wait_dma2 semaphore(%run_scoped3A : memref<!tpu.dma_semaphore, #tpu.memory_space<semaphore_mem>>) src(%dma_wait3A_66 : memref<4096xf32, #tpu.memory_space<vmem>>) dst(%dma_wait3A_64 : memref<4096xf32, #tpu.memory_space<hbm>>)
      tpu.yield
    }) : () -> ()
    return
  }
}

</mosaic_0001>

<sc_bundles>
// kernel: kernel.4.cloned.1.call-start
scs
__scs_entry_jumppad:
0x0: {  	(pc) =	sbr.rel $0x88, $3  }
0x1: {  	(tag) =	ssettag $0x0;
	lr =	simm.s32 $0x1  }
0x2: {  	[smem:$0x3F9F] =	sst lr;
	_ =	strace $0xD0000000  }
0x3: {  	_ = 	snop  }
0x4: {  	_ = 	snop  }
0x5: {  	_ = 	snop  }
0x6: {  	_ = 	snop  }
0x7: {  	_ = 	snop  }
__scs_overlays_trampoline_lowered:
0x8: {  	[smem:$0x3FAE] =	sst s0  }
0x9: {  	[smem:$0x3FAF] =	sst s1  }
0xa: {  	[smem:$0x3FB0] =	sst s2  }
0xb: {  	[smem:$0x3FB1] =	sst s3  }
0xc: {  	[smem:$0x3FB2] =	sst s4  }
0xd: {  	[smem:$0x3FB3] =	sst s5  }
0xe: {  	[smem:$0x3FB4] =	sst s6  }
0xf: {  	[smem:$0x3FB5] =	sst s7  }
0x10: {  	[smem:$0x3FB6] =	sst s8  }
0x11: {  	[smem:$0x3FB7] =	sst s9;
	s0 =	simm.s32 @!p0 $0x0  }
0x12: {  	s1 =	sld [smem:$0x3F9D];
	s0 =	simm.s32 @p0 $0x1  }
0x13: {  	[smem:$0x3FB8] =	sst s0;
	s0 =	simm.s32 @!p1 $0x0  }
0x14: {  	s2 =	sld [smem:$0x3F9C];
	s0 =	simm.s32 @p1 $0x1  }
0x15: {  	[smem:$0x3FB9] =	sst s0;
	s0 =	simm.s32 @!p2 $0x0  }
0x16: {  	s3 =	sld [smem:$0x3FDB];
	s0 =	simm.s32 @p2 $0x1  }
0x17: {  	s4 =	simm.s32 $0x1BF5;
	[smem:$0x3FBB] =	sst s0  }
0x18: {  	s0 =	sld [smem:$0x3F9E];
	_ =	swait.ge [sflag:s4], $0x0  }
0x19: {  	s7 =	sld [smem:$0x3F9F]  }
0x1a: {  	s8 =	sadd.s32 $0xFFFFE003, lr  }
0x1b: {  	s9 =	sadd.s32 $0xFFFFFEF7, lr;
	s5 =	simm.s32 $0xFFFFFFFF;
	p2 =	slt.u32 s8, $0xFFFFF086  }
0x1c: {  	p1 =	slt.u32 s9, $0xF7A;
	s5 =	simm.s32 @!p2 $0x0  }
0x1d: {  	s5 =	simm.s32 @p1 $0x1;
	p0 =	seq.s32 s7, s2  }
0x1e: {  	s7 =	smul.u32 @!p0 $0xF7A, s2;
	p2 =	seq.s32 @!p0 s5, $0x0  }
0x1f: {  	s9 =	smul.u32 $0xF7A, s1;
	s8 =	simm.s32 @!p0 $0x1BF5;
	p2 =	por !p2, p0  }
0x20: {  	[sflag:s8] =	ssyncset.s32 @!p0 $0xFFFFF086;
	s6 =	sadd.s32 @!p0 s3, s7;
	s7 =	simm.s32 @!p0 $0x108  }
0x21: {  	s3 =	sadd.s32 s3, s9;
	s6 =	sadd.s32 @!p0 $0x88, s6;
	s7 =	simm.s32 @p2 $0x1082  }
0x22: {  	[simem:s7], [sflag:s8] =	dma.local @!p0 [hbm:s6], $0xF7A  }
0x23: {  	s9 =	sor.u32 $0xD0000000, s2;
	s6 =	simm.s32 $0x108;
	_ =	swait.ge @!p0 [sflag:s8], $0x0  }
0x24: {  	s3 =	sadd.s32 $0x88, s3;
	s6 =	simm.s32 @!p1 $0x1082;
	[sflag:s4] =	ssyncset.s32 $0xFFFFF086  }
0x25: {  	[simem:s6], [sflag:s4] =	dma.local [hbm:s3], $0xF7A  }
0x26: {  	[smem:$0x3F9F] =	sst s1;
	(tag) =	ssettag s2;
	_ =	strace s9  }
0x27: {  	s1 =	sld [smem:$0x3FAF]  }
0x28: {  	s2 =	sld [smem:$0x3FB0]  }
0x29: {  	s4 =	sld [smem:$0x3FB2]  }
0x2a: {  	p0 =	seq.s32 s5, $0x0;
	s5 =	sld [smem:$0x3FB3]  }
0x2b: {  	s6 =	sld [smem:$0x3FB4]  }
0x2c: {  	s7 =	sld [smem:$0x3FB5]  }
0x2d: {  	s3 =	simm.s32 $0x108;
	s8 =	sld [smem:$0x3FB6]  }
0x2e: {  	s3 =	simm.s32 @!p0 $0x1082;
	s9 =	sld [smem:$0x3FB7]  }
0x2f: {  	lr =	sadd.s32 s0, s3;
	s0 =	sld [smem:$0x3FAE]  }
0x30: {  	s3 =	sld [smem:$0x3FB1]  }
0x31: {  	[smem:$0x3FBA] =	sst s10  }
0x32: {  	s10 =	sld [smem:$0x3FB8];
	_ =	sdelay $0x3  }
0x33: {  	p0 =	seq.s32 s10, $0x1;
	s10 =	sld [smem:$0x3FBA];
	_ =	sdelay $0x3  }
0x34: {  	[smem:$0x3FBA] =	sst s10  }
0x35: {  	s10 =	sld [smem:$0x3FB9];
	_ =	sdelay $0x3  }
0x36: {  	p1 =	seq.s32 s10, $0x1;
	s10 =	sld [smem:$0x3FBA];
	_ =	sdelay $0x3  }
0x37: {  	[smem:$0x3FBA] =	sst s10  }
0x38: {  	s10 =	sld [smem:$0x3FBB]  }
0x39: {  	_ = 	snop;
	(pc) =	sbr.ind lr, $3  }
0x3a: {  	_ = 	snop  }
0x3b: {  	_ = 	snop  }
0x3c: {  	p2 =	seq.s32 s10, $0x1;
	s10 =	sld [smem:$0x3FBA]  }
0x3d: {  	_ =	shalt  }
0x3e: {  	_ =	shalt  }
0x3f: {  	_ =	shalt  }
0x40: {  	_ =	shalt  }
0x41: {  	_ =	shalt  }
0x42: {  	_ =	shalt  }
0x43: {  	_ =	shalt  }
0x44: {  	_ =	shalt  }
0x45: {  	_ =	shalt  }
0x46: {  	_ =	shalt  }
0x47: {  	_ =	shalt  }
0x48: {  	_ =	shalt  }
0x49: {  	_ =	shalt  }
0x4a: {  	_ =	shalt  }
0x4b: {  	_ =	shalt  }
0x4c: {  	_ =	shalt  }
0x4d: {  	_ =	shalt  }
0x4e: {  	_ =	shalt  }
0x4f: {  	_ =	shalt  }
0x50: {  	_ =	shalt  }
0x51: {  	_ =	shalt  }
0x52: {  	_ =	shalt  }
0x53: {  	_ =	shalt  }
0x54: {  	_ =	shalt  }
0x55: {  	_ =	shalt  }
0x56: {  	_ =	shalt  }
0x57: {  	_ =	shalt  }
0x58: {  	_ =	shalt  }
0x59: {  	_ =	shalt  }
0x5a: {  	_ =	shalt  }
0x5b: {  	_ =	shalt  }
0x5c: {  	_ =	shalt  }
0x5d: {  	_ =	shalt  }
0x5e: {  	_ =	shalt  }
0x5f: {  	_ =	shalt  }
0x60: {  	_ =	shalt  }
0x61: {  	_ =	shalt  }
0x62: {  	_ =	shalt  }
0x63: {  	_ =	shalt  }
0x64: {  	_ =	shalt  }
0x65: {  	_ =	shalt  }
0x66: {  	_ =	shalt  }
0x67: {  	_ =	shalt  }
0x68: {  	_ =	shalt  }
0x69: {  	_ =	shalt  }
0x6a: {  	_ =	shalt  }
0x6b: {  	_ =	shalt  }
0x6c: {  	_ =	shalt  }
0x6d: {  	_ =	shalt  }
0x6e: {  	_ =	shalt  }
0x6f: {  	_ =	shalt  }
0x70: {  	_ =	shalt  }
0x71: {  	_ =	shalt  }
0x72: {  	_ =	shalt  }
0x73: {  	_ =	shalt  }
0x74: {  	_ =	shalt  }
0x75: {  	_ =	shalt  }
0x76: {  	_ =	shalt  }
0x77: {  	_ =	shalt  }
0x78: {  	_ =	shalt  }
0x79: {  	_ =	shalt  }
0x7a: {  	_ =	shalt  }
0x7b: {  	_ =	shalt  }
0x7c: {  	_ =	shalt  }
0x7d: {  	_ =	shalt  }
0x7e: {  	_ =	shalt  }
0x7f: {  	_ =	shalt  }
0x80: {  	_ =	shalt  }
0x81: {  	_ =	shalt  }
0x82: {  	_ =	shalt  }
0x83: {  	_ =	shalt  }
0x84: {  	_ =	shalt  }
0x85: {  	_ =	shalt  }
0x86: {  	_ =	shalt  }
0x87: {  	_ =	shalt  }
.Lfunc_end0:
.L_simem_size_0:
called_computation_lowered:
.L_overlay_start_0:
0x88: {  	s2 =	sld [smem:$0x3FD9]  }
0x89: {  	s3 =	sld [smem:$0x3FFE];
	_ =	sdelay $0x1  }
0x8a: {  	s1 =	srdreg.scid  }
0x8b: {  	s0 =	sand.u32 $0x1, s1  }
0x8c: {  	s14 =	sshll.u32 s0, $0xA;
	s2 =	sadd.s32 s3, s2  }
0x8d: {  	s2 =	sadd.s32 s2, s14  }
0x8e: {  	[smem:$0x3FC6] =	sst s2  }
0x8f: {  	_ = 	snop  }
0x90: {  	s2 =	sld [smem:$0x3FD0];
	_ =	sdelay $0x2  }
0x91: {  	s4 =	simm.s32 $0xA;
	s5 =	simm.s32 $0x10;
	s15 =	sld [smem:$0x3FC8]  }
0x92: {  	[smem:s5], [sflag:s4] =	dma.local [hbm:s2], $0x1  }
0x93: {  	_ =	swait.eq [sflag:s4], $0x1  }
0x94: {  	[sflag:s4] =	ssyncset.done $0x0  }
0x95: {  	[sflag:s4] =	ssyncadd.s32 $0xFFFFFFFF  }
0x96: {  	s16 =	sld [smem:$0x10];
	(tm) =	ssettm $0x1  }
0x97: {  	s17 =	sld [smem:$0x3FFB];
	_ =	sdelay $0x3  }
0x98: {  	_ =	strace s17  }
0x99: {  	s4 =	sld [smem:$0x3FFC];
	_ =	sdelay $0x3  }
0x9a: {  	_ =	strace s4  }
0x9b: {  	s4 =	sld [smem:$0x3FFD];
	_ =	sdelay $0x3  }
0x9c: {  	_ =	strace s4  }
0x9d: {  	_ =	strace $0x8FFFFFFF  }
0x9e: {  	s18 =	sld [smem:$0x3FDB];
	_ =	sdelay $0x1  }
0x9f: {  	s19 =	simm.s32 $_scs_section_size  }
0xa0: {  	s6 =	simm.s32 $_size__tile_overlayer_lowered;
	s7 =	simm.s32 $_tile_overlayer_lowered  }
0xa1: {  	s22 =	simm.s32 $0x1BFF;
	s21 =	sshll.u32 s7, $0x1;
	s4 =	sadd.s32 s19, s18  }
0xa2: {  	s8 =	simm.s32 $0x0;
	s20 =	sshll.u32 s6, $0x1;
	s6 =	sadd.s32 s21, s4  }
0xa3: {  	[timem:s8], [sflag:s22] =	dma.local [hbm:s6], s20  }
0xa4: {  	_ =	swait.ge [sflag:s22], s20  }
0xa5: {  	s5 =	ssub.s32 $0x0, s20;
	[sflag:s22] =	ssyncset.done $0x0  }
0xa6: {  	[sflag:s22] =	ssyncadd.s32 s5;
	_ =	sdelay $0x1  }
0xa7: {  	s23 =	simm.s32 $0x1B8B  }
0xa8: {  	_ =	swait.ge [sflag:s23], $0x1  }
0xa9: {  	[sflag:s23] =	ssyncset.done $0x0  }
0xaa: {  	s25 =	simm.s32 $0x1B8E;
	s24 =	sld [smem:$0x3FFE];
	[sflag:s23] =	ssyncadd.s32 $0xFFFFFFFF  }
0xab: {  	s26 =	simm.s32 $execute0_lowered;
	[smem:$0x3FD2] =	sst s25  }
0xac: {  	s6 =	sshll.u32 s26, $0x1;
	_ =	strace $0x80000046;
	[dreg:$0x1] =	wrdreg $0xFFFFFFFF  }
0xad: {  	s28 =	simm.s32 $_size_execute0_lowered;
	s4 =	sadd.s32 s4, s6;
	[dreg:$0x0] =	wrdreg $0x0  }
0xae: {  	s6 =	sshll.u32 s28, $0x1;
	[dreg:$0x2] =	wrdreg s4  }
0xaf: {  	[dreg:$0x3] =	wrdreg s6  }
0xb0: {  	[dreg:$0x4] =	wrdreg $0xC0  }
0xb1: {  	_ =	task [dreg:s8], $0x5FFFF  }
0xb2: {  	[dreg:$0x1] =	wrdreg $0xFFFFFFFF  }
0xb3: {  	[dreg:$0x0] =	wrdreg $0x60  }
0xb4: {  	[dreg:$0x2] =	wrdreg s24  }
0xb5: {  	[dreg:$0x3] =	wrdreg s16  }
0xb6: {  	[dreg:$0x4] =	wrdreg s15  }
0xb7: {  	[dreg:$0x5] =	wrdreg $0x9  }
0xb8: {  	_ =	task.clear_ibuf [dreg:s8], $0x6FFFF;
	_ =	strace $0x90000046  }
0xb9: {  	s29 =	simm.s32 $0x9;
	_ =	strace $0x80000048  }
0xba: {  	_ =	swait.ge [sflag:s29], $0x1  }
0xbb: {  	[sflag:s29] =	ssyncadd.s32 $0xFFFFFFFF  }
0xbc: {  	_ =	strace $0x90000048  }
0xbd: {  	_ =	sfence  }
0xbe: {  	s30 =	sld [smem:$0x0];
	_ =	sdelay $0x2  }
0xbf: {  	s31 =	sshll.u32 s1, $0xD;
	s1 =	sshrl.u32 s1, $0x2  }
0xc0: {  	s3 =	sand.u32 $0x4000, s31;
	s1 =	sadd.s32 s1, s30  }
0xc1: {  	s0 =	sor.u32 s3, s0;
	s1 =	sshll.u32 s1, $0x11  }
0xc2: {  	s0 =	sor.u32 s1, s0  }
0xc3: {  	s0 =	sadd.s32 $0x8F2B, s0  }
0xc4: {  	[sflag:s0] =	ssyncadd.remote.s32 $0x1  }
0xc5: {  	_ =	sfence.sel $0xFFFF  }
0xc6: {  	[dreg:$0x0] =	wrdreg $0xFFFFFFFF;
	(pc) =	sbr.abs _section_cstart, $3  }
0xc7: {  	[dreg:$0x1] =	wrdreg $0xFFFFFFFF  }
0xc8: {  	_ =	task.clear_ibuf [dreg:s8], $0x2FFFF;
	_ =	strace $0x9FFFFFFF  }
0xc9: {  	(tm) =	ssettm $0x7FFFFFFF  }
tec
execute0_lowered:
.L_overlay_start_1:
0x0: {  	(tag) =	ssettag $0x1  }
0x1: {  	s7 =	rddreg [dreg:$0x0]  }
0x2: {  	s2 =	rddreg [dreg:$0x1]  }
0x3: {  	s3 =	rddreg [dreg:$0x2];
	s4 =	srdreg.scid  }
0x4: {  	s0 =	rddreg [dreg:$0x3];
	s1 =	stileid.u32;
	s11 =	simm.s32 $0x800  }
0x5: {  	s12 =	simm.s32 $0x1000;
	s13 =	simm.s32 $0x1800;
	s14 =	simm.s32 $0x2080  }
0x6: {  	s15 =	simm.s32 $0x2100;
	s16 =	simm.s32 $0x2000;
	s17 =	simm.s32 $0x0  }
0x7: {  	s6 =	sand.u32 $0x1, s4;
	s4 =	simm.s32 $0x0;
	s5 =	sshll.u32 s1, $0x7  }
.Ltmp0:
0x8: {  	s8 =	sshll.u32 s6, $0x6;
	[smem:$0x7FF] =	sst s4;
	(pc) =	sbr.rel .LBB2_1-.Ltmp0, $4  }
0x9: {  	s9 =	ssub.s32 $0x2, s6;
	s6 =	sadd.s32 $0x1600, s7;
	s5 =	sor.u32 s8, s5  }
0xa: {  	_ =	strace $0x80000047;
	s10 =	sshrl.u32 s9, $0x1;
	s8 =	sshrl.u32 s5, $0x3  }
0xb: {  	v0 =	vlaneseq.u32;
	s9 =	ssub.s32 s9, s10;
	s10 =	simm.s32 $0x1;
	s8 =	sadd.s32 s8, s7  }
0xc: {  	v1 =	vimm.s32 $0x0;
	v2 =	vimm.s32 $0x800;
	v3 =	vadd.s32 $0xFFFFFFFF, v0;
	s7 =	sadd.s32 $0x1400, s7;
	s9 =	smax.u32 s9, $0x1;
	s8 =	sadd.s32 $0x1800, s8  }
.LBB2_16:
0xd: {  	s17 =	sadd.s32 $0x1, s17  }
0xe: {  	p0 =	sne.s32 s17, s9  }
.Ltmp1:
0xf: {  	_ = 	snop;
	(pc) =	sbr.rel @!p0 .LBB2_17-.Ltmp1, $4  }
0x10: {  	[hbm4b:s8+s4] =	stream.linear.scatter [tilespmem:s16], [sflag:$0x1], $0x40, $0x38;
	[tilespmem:$0x2180] =	vst v63  }
0x11: {  	_ =	swait.ge [sflag:s10], $0x40  }
0x12: {  	[sflag:s10] =	ssyncset.done $0x0  }
0x13: {  	[sflag:s10] =	ssyncadd.s32 $0xFFFFFFC0  }
.LBB2_1:
0x14: {  	[tilespmem:s4], [sflag:$0x1] =	stream.linear.gather [hbm4b:s6+s4], $0x800, $0x38;
	[tilespmem:$0x2180] =	vst v63  }
0x15: {  	_ =	swait.ge [sflag:s10], $0x800  }
0x16: {  	[sflag:s10] =	ssyncset.done $0x0  }
0x17: {  	[sflag:s10] =	ssyncadd.s32 $0xFFFFF800  }
0x18: {  	[tilespmem:s11], [sflag:$0x1] =	stream.linear.gather [hbm4b:s7+s4], $0x800, $0x38;
	[tilespmem:$0x2180] =	vst v63  }
0x19: {  	_ =	swait.ge [sflag:s10], $0x800  }
0x1a: {  	[sflag:s10] =	ssyncset.done $0x0  }
0x1b: {  	[sflag:s10] =	ssyncadd.s32 $0xFFFFF800  }
0x1c: {  	[tilespmem:s12], [sflag:$0x1] =	stream.linear.gather [hbm4b:s2+s4], $0x800, $0x38;
	[tilespmem:$0x2180] =	vst v63  }
0x1d: {  	_ =	swait.ge [sflag:s10], $0x800  }
0x1e: {  	[sflag:s10] =	ssyncset.done $0x0  }
0x1f: {  	v4 =	vadd.s32 s4, v3;
	[sflag:s10] =	ssyncadd.s32 $0xFFFFF800  }
0x20: {  	vm0 =	vgt.s32 v4, $0x0;
	[tilespmem:s13], [sflag:$0x1] =	stream.linear.gather [hbm4b:s3+s4], $0x800, $0x38;
	[tilespmem:$0x2180] =	vst v63  }
0x21: {  	v4 =	vnsel vm0, $0x0, v4;
	_ =	swait.ge [sflag:s10], $0x800  }
0x22: {  	[sflag:s10] =	ssyncset.done $0x0  }
0x23: {  	[sflag:s10] =	ssyncadd.s32 $0xFFFFF800  }
0x24: {  	[tilespmem:$0x2080] =	vst v1  }
0x25: {  	[tilespmem:$0x2100] =	vst v2  }
0x26: {  	v4 =	vld.idx.msk [tilespmem:v4+s13+$0x0], $0xffff  }
0x27: {  	v5 =	vld [tilespmem:s13+$0x0];
	_ =	sdelay $0x4  }
0x28: {  	s18 =	simm.s32 $0x10;
	vm0 =	vne.s32 v5, v4  }
0x29: {  	v6 =	vadd.s32 s18, v3  }
0x2a: {  	s21 =	simm.s32 $0x20;
	s20 =	simm.s32 $0x0;
	s19 =	simm.s32 $0x1800;
	vm1 =	vgt.s32 v6, $0x0  }
.LBB2_2:
0x2b: {  	p0 =	sne.s32 s21, $0x7F0;
	v6 =	vnsel vm1, $0x0, v6;
	_ =	sdelay $0x1  }
0x2c: {  	v7 =	vor.u32 s20, v0;
	s20 =	smov.u32 s18;
	s18 =	smov.u32 s21  }
0x2d: {  	[tilespmem:v5+s14+$0x0] =	vst.idx.msk vm0, v7  }
0x2e: {  	[tilespmem:v4+s15+$0x0] =	vst.idx.msk vm0, v7  }
0x2f: {  	s19 =	sadd.s32 $0x10, s19;
	v4 =	vld.idx.msk [tilespmem:v6+s13+$0x0], $0xffff  }
0x30: {  	v5 =	vld [tilespmem:s19+$0x0];
	_ =	sdelay $0x2  }
.Ltmp2:
0x31: {  	(pc) =	sbr.rel @p0 .LBB2_2-.Ltmp2, $4  }
0x32: {  	_ = 	snop  }
0x33: {  	vm0 =	vne.s32 v5, v4  }
0x34: {  	v6 =	vadd.s32 s21, v3  }
0x35: {  	s21 =	sadd.s32 $0x10, s21;
	vm1 =	vgt.s32 v6, $0x0  }
0x36: {  	_ =	sdelay $0x2  }
0x37: {  	v6 =	vnsel vm1, $0x0, v6  }
0x38: {  	v7 =	vor.u32 s20, v0  }
0x39: {  	[tilespmem:v5+s14+$0x0] =	vst.idx.msk vm0, v7  }
0x3a: {  	s19 =	sadd.s32 $0x10, s19;
	[tilespmem:v4+s15+$0x0] =	vst.idx.msk vm0, v7  }
0x3b: {  	v5 =	vld [tilespmem:s19+$0x0]  }
0x3c: {  	v4 =	vld.idx.msk [tilespmem:v6+s13+$0x0], $0xffff;
	_ =	sdelay $0x4  }
0x3d: {  	vm15 =	vne.s32 v5, v4;
	_ =	sdelay $0x2  }
.Ltmp3:
0x3e: {  	_ = 	snop;
	(pc) =	sbr.rel .LBB2_4-.Ltmp3, $4  }
0x3f: {  	_ = 	snop  }
0x40: {  	v63 =	vor.u32 s18, v0  }
0x41: {  	[tilespmem:v5+s14+$0x0] =	vst.idx.msk vm15, v63  }
0x42: {  	s18 =	simm.s32 $0x0;
	[tilespmem:v4+s15+$0x0] =	vst.idx.msk vm15, v63  }
.LBB2_15:
0x43: {  	s18 =	sadd.s32 $0x1, s18  }
0x44: {  	p0 =	sne.s32 s18, $0x4  }
.Ltmp4:
0x45: {  	_ = 	snop;
	(pc) =	sbr.rel @!p0 .LBB2_16-.Ltmp4, $3  }
0x46: {  	_ =	sdelay $0x1  }
0x47: {  	s19 =	sand.u32 $0x3FFFFFF0, s19  }
0x48: {  	[tilespmem:s19+$0x2000] =	vst v4  }
.LBB2_4:
.Ltmp5:
0x49: {  	(pc) =	sbr.rel .LBB2_5-.Ltmp5, $3  }
0x4a: {  	_ =	sdelay $0x1  }
0x4b: {  	s19 =	sshll.u32 s18, $0x4  }
0x4c: {  	v4 =	vimm.s32 $0x0;
	s21 =	simm.s32 $0x0;
	s20 =	sadd.s32 s5, s19  }
.LBB2_7:
0x4d: {  	v14 =	vimm.s32 $0x0;
	s29 =	smov.u32 s22;
	s25 =	smov.u32 s23  }
.LBB2_13:
0x4e: {  	v9 =	vsub.f32 v9, v11  }
0x4f: {  	s25 =	sadd.s32 @p0 $0x10, s25  }
0x50: {  	v61 =	vmul.f32 v15, v15;
	v8 =	vsub.f32 v8, v12;
	s23 =	smov.u32 @p0 s25;
	v9 =	vmul.f32 v9, v9  }
0x51: {  	v10 =	vadd.f32 @p0 v17, v16;
	s24 =	sadd.s32 @p1 $0x10, s29;
	s26 =	smov.u32 s22;
	v62 =	vld [tilespmem:s23+$0x0]  }
0x52: {  	vm0 =	veq.s32 @p0 v13, v6;
	s26 =	smov.u32 @p1 s24;
	v8 =	vmul.f32 v8, v8;
	v9 =	vadd.f32 v61, v9  }
0x53: {  	v12 =	vor.u32 @p0 s26, v0;
	vm1 =	vlt.f32 @p0 v10, $2.500000000e+01;
	v10 =	vadd.s32 @p1 v18, v14;
	s23 =	sadd.s32 @p0 $0x10, s26  }
0x54: {  	vm0 =	vmand @p0 vm0, vm1;
	vm1 =	vne.s32 @p0 v12, v5;
	s22 =	smov.u32 @p0 s23;
	v8 =	vadd.f32 v8, v9  }
0x55: {  	v10 =	vpsel p1, v10, v7;
	vm0 =	vmand @p0 vm1, vm0;
	v63 =	vor.u32 s22, v0  }
0x56: {  	v9 =	vsel @p0 vm0, $0x1, v1;
	vm13 =	veq.s32 v62, v6;
	vm14 =	vlt.f32 v8, $2.500000000e+01  }
0x57: {  	vm15 =	vne.s32 v63, v5;
	v6 =	vpsel p0, v9, v0;
	vm0 =	vmand vm13, vm14  }
0x58: {  	v5 =	vadd.s32 @p0 v6, v10;
	vm0 =	vmand vm15, vm0  }
0x59: {  	v5 =	vpsel p0, v5, v7;
	v6 =	vsel vm0, $0x1, v1  }
0x5a: {  	v7 =	vadd.s32 v6, v5  }
.LBB2_14:
0x5b: {  	(xrf0) =	vadd.scan.msk.s32 $0xffff, v7;
	_ =	sdelay $0x2  }
0x5c: {  	v6 =	vmov s21;
	s21 =	sadd.s32 $0x1, s21  }
0x5d: {  	p0 =	sne.s32 s21, $0x10  }
.Ltmp6:
0x5e: {  	_ = 	snop;
	(pc) =	sbr.rel @!p0 .LBB2_15-.Ltmp6, $4  }
0x5f: {  	v5, _, _ =	vpop (xrf0)  }
0x60: {  	v5 =	vbroadcast v5, $0xF  }
0x61: {  	vm0 =	veq.s32 v6, v0  }
0x62: {  	v4 =	vsel vm0, v5, v4  }
.LBB2_5:
0x63: {  	s22 =	sadd.s32 s20, s21  }
0x64: {  	v5 =	vmov s22;
	_ =	sdelay $0x4  }
0x65: {  	v6 =	vld.idx.msk [tilespmem:v5+s13+$0x0], $0xffff;
	_ =	sdelay $0x7  }
0x66: {  	v7 =	vld.idx.msk [tilespmem:v6+s14+$0x0], $0xffff  }
0x67: {  	v8 =	vld.idx.msk [tilespmem:v6+s15+$0x0], $0xffff;
	_ =	sdelay $0x3  }
0x68: {  	v7 =	vxor.u32 $0x80000000, v7  }
0x69: {  	(xrf0) =	vmax.scan.msk.u32 $0xffff, v7;
	v7 =	vxor.u32 $0x80000000, v8  }
0x6a: {  	(xrf0) =	vmax.scan.msk.u32 $0xffff, v7;
	_ =	sdelay $0x4  }
0x6b: {  	v7, _, _ =	vpop (xrf0)  }
0x6c: {  	(v2sf) =	vpush v7, $0xF;
	v7, _, _ =	vpop (xrf0)  }
0x6d: {  	(v2sf) =	vpush v7, $0xF;
	_ =	sdelay $0xd  }
0x6e: {  	s26 =	spop (v2sf)  }
0x6f: {  	s23 =	sxor.u32 $0x80000000, s26;
	s25 =	spop (v2sf);
	p1 =	sgt.s32 s26, $0xFFFFFFFF  }
0x70: {  	s22 =	sand.u32 $0xF, s26;
	s24 =	sshra.s32 s23, $0x1F;
	p0 =	slt.s32 s23, $0x1  }
0x71: {  	s28 =	sadd.s32 $0x8000000F, s25;
	p5 =	sne.s32 s22, $0x0;
	s25 =	simm.s32 $0x1  }
0x72: {  	s24 =	sshrl.u32 s24, $0x1C;
	p0 =	por p1, p0;
	s29 =	sand.u32 $0xF, s28  }
0x73: {  	p6 =	slt.s32 s28, $0x1;
	s31 =	sshra.s32 s28, $0x1F;
	p2 =	sne.s32 s29, $0x0  }
0x74: {  	s24 =	sadd.s32 s24, s23;
	p0 =	por !p5, !p0;
	p1 =	por !p6, !p2  }
0x75: {  	s30 =	sshra.s32 s24, $0x4;
	p0 =	por !p0, !p0;
	s24 =	sshrl.u32 s31, $0x1C  }
0x76: {  	s23 =	sadd.s32 s24, s28;
	p1 =	por !p1, !p1;
	s24 =	simm.s32 $0x1  }
0x77: {  	s25 =	simm.s32 @!p0 $0x0;
	s23 =	sshra.s32 s23, $0x4;
	s24 =	simm.s32 @!p1 $0x0  }
0x78: {  	s22 =	ssub.s32 s30, s25;
	s24 =	ssub.s32 s23, s24  }
0x79: {  	p0 =	sge.s32 s22, s24  }
.Ltmp7:
0x7a: {  	v9 =	vld.idx.msk [tilespmem:v5+s4+$0x0], $0xffff;
	(pc) =	sbr.rel @p0 .LBB2_14-.Ltmp7, $3  }
0x7b: {  	_ = 	snop  }
0x7c: {  	v8 =	vld.idx.msk [tilespmem:v5+s12+$0x0], $0xffff;
	_ =	sdelay $0x1  }
0x7d: {  	v10 =	vld.idx.msk [tilespmem:v5+s11+$0x0], $0xffff;
	v7 =	vimm.s32 $0x0  }
0x7e: {  	s23 =	sshll.u32 s22, $0x6  }
0x7f: {  	s26 =	sshra.s32 s23, $0x2  }
0x80: {  	s25 =	sadd.s32 $0x1, s22;
	s29 =	sadd.s32 $0x800, s26  }
0x81: {  	p2 =	slt.s32 s25, s24;
	v13 =	vld [tilespmem:s29+$0x0]  }
.Ltmp8:
0x82: {  	v11 =	vld [tilespmem:s26+$0x0];
	(pc) =	sbr.rel @!p2 .LBB2_7-.Ltmp8, $4  }
0x83: {  	s28 =	sadd.s32 $0x1000, s26  }
0x84: {  	v12 =	vld [tilespmem:s28+$0x0]  }
0x85: {  	s22 =	sshll.u32 s22, $0x4;
	p0 =	por $0x0, $0x0;
	p1 =	por $0x0, $0x0  }
0x86: {  	v7 =	vimm.s32 $0x0;
	s23 =	sadd.s32 $0x1800, s26;
	s26 =	sadd.s32 $0x10, s26;
	s30 =	sadd.s32 $0x10, s29;
	v15 =	vsub.f32 v10, v13  }
0x87: {  	s25 =	sadd.s32 $0x1, s25  }
0x88: {  	v14 =	vld [tilespmem:s30+$0x0];
	p2 =	slt.s32 s25, s24  }
.Ltmp9:
0x89: {  	v13 =	vsub.f32 v9, v11;
	v11 =	vld [tilespmem:s26+$0x0];
	(pc) =	sbr.rel @!p2 .LBB2_9-.Ltmp9, $3  }
0x8a: {  	s28 =	sadd.s32 $0x10, s28  }
0x8b: {  	v15 =	vmul.f32 v15, v15;
	v17 =	vsub.f32 v8, v12;
	v16 =	vmul.f32 v13, v13;
	v12 =	vld [tilespmem:s28+$0x0];
	_ =	sdelay $0x1  }
0x8c: {  	s29 =	sadd.s32 $0x10, s26;
	s31 =	sadd.s32 $0x10, s30;
	p0 =	por $0x1, $0x1;
	v13 =	vld [tilespmem:s23+$0x0];
	v16 =	vadd.f32 v15, v16;
	v17 =	vmul.f32 v17, v17;
	v15 =	vsub.f32 v10, v14  }
0x8d: {  	_ = 	snop  }
0x8e: {  	v11 =	vsub.f32 v9, v11;
	s26 =	sadd.s32 $0x1, s25  }
0x8f: {  	v14 =	vld [tilespmem:s31+$0x0];
	v16 =	vadd.f32 v17, v16;
	p2 =	slt.s32 s26, s24  }
.Ltmp10:
0x90: {  	s25 =	sadd.s32 $0x10, s23;
	v15 =	vmul.f32 v15, v15;
	v12 =	vsub.f32 v8, v12;
	v18 =	vmul.f32 v11, v11;
	v11 =	vld [tilespmem:s29+$0x0];
	(pc) =	sbr.rel @!p2 .LBB2_11-.Ltmp10, $4  }
0x91: {  	s28 =	sadd.s32 $0x10, s28;
	v17 =	vor.u32 s22, v0;
	vm1 =	vlt.f32 v16, $2.500000000e+01;
	vm0 =	veq.s32 v13, v6;
	v13 =	vld [tilespmem:s25+$0x0]  }
0x92: {  	vm15 =	vne.s32 v17, v5;
	v17 =	vmul.f32 v12, v12;
	v12 =	vld [tilespmem:s28+$0x0];
	vm0 =	vmand vm0, vm1  }
0x93: {  	s30 =	sadd.s32 $0x10, s29;
	v16 =	vadd.f32 v15, v18;
	vm0 =	vmand vm15, vm0  }
0x94: {  	s31 =	sadd.s32 $0x10, s31;
	p1 =	por $0x1, $0x1;
	s29 =	smov.u32 s22;
	v15 =	vsub.f32 v10, v14;
	v14 =	vimm.s32 $0x0;
	v18 =	vsel vm0, $0x1, v1  }
.LBB2_12:
0x95: {  	s26 =	sadd.s32 $0x1, s26  }
0x96: {  	v19 =	vld [tilespmem:s31+$0x0];
	v20 =	vsub.f32 v9, v11;
	v16 =	vadd.f32 v17, v16;
	v14 =	vadd.s32 v18, v14;
	s29 =	sadd.s32 $0x10, s29;
	p2 =	slt.s32 s26, s24  }
.Ltmp11:
0x97: {  	v15 =	vmul.f32 v15, v15;
	s28 =	sadd.s32 $0x10, s28;
	vm0 =	veq.s32 v13, v6;
	s25 =	sadd.s32 $0x10, s25;
	v11 =	vld [tilespmem:s30+$0x0];
	v17 =	vor.u32 s29, v0;
	(pc) =	sbr.rel @p2 .LBB2_12-.Ltmp11, $4  }
0x98: {  	v18 =	vsub.f32 v8, v12;
	v20 =	vmul.f32 v20, v20;
	v13 =	vld [tilespmem:s25+$0x0];
	vm1 =	vlt.f32 v16, $2.500000000e+01  }
0x99: {  	v12 =	vld [tilespmem:s28+$0x0];
	vm0 =	vmand vm0, vm1;
	vm1 =	vne.s32 v17, v5  }
0x9a: {  	v17 =	vmul.f32 v18, v18;
	v16 =	vadd.f32 v15, v20;
	vm0 =	vmand vm1, vm0  }
0x9b: {  	s31 =	sadd.s32 $0x10, s31;
	s30 =	sadd.s32 $0x10, s30;
	v15 =	vsub.f32 v10, v19;
	v18 =	vsel vm0, $0x1, v1  }
.Ltmp12:
0x9c: {  	_ = 	snop;
	(pc) =	sbr.rel .LBB2_13-.Ltmp12, $1  }
0x9d: {  	_ =	sdelay $0x3  }
.LBB2_9:
.Ltmp13:
0x9e: {  	(pc) =	sbr.rel .LBB2_13-.Ltmp13, $2  }
0x9f: {  	_ =	sdelay $0x2  }
0xa0: {  	v14 =	vimm.s32 $0x0;
	s29 =	smov.u32 s22;
	s25 =	smov.u32 s23  }
.LBB2_11:
.Ltmp14:
0xa1: {  	(pc) =	sbr.rel .LBB2_13-.Ltmp14, $2  }
0xa2: {  	_ =	sdelay $0x2  }
0xa3: {  	v14 =	vimm.s32 $0x0;
	s29 =	smov.u32 s22  }
.LBB2_17:
0xa4: {  	_ =	sfence.sel $0x180000  }
0xa5: {  	[bflag:$0x0] =	sbarrier.arrive $0xFFFF  }
0xa6: {  	p0 =	sne.s32 s1, $0x0;
	_ =	strace $0x90000047  }
0xa7: {  	s0 =	sadd.s32 @!p0 $0x100000, s0;
	[bflag:$0x2] =	sbarrier.arrive $0xFFFF  }
0xa8: {  	[sflag:s0] =	ssyncadd.tile.s32 @!p0 $0x1;
	_ =	shalt  }
.Lfunc_end2:
_tile_overlayer_lowered:
.L_overlay_start_2:
0xa9: {  	(tag) =	ssettag $0x2  }
0xaa: {  	s0 =	rddreg [dreg:$0x0];
	s2 =	stileid.u32  }
0xab: {  	s1 =	rddreg [dreg:$0x1];
	p0 =	sne.s32 s2, $0x0  }
0xac: {  	s3 =	rddreg [dreg:$0x2];
	[bflag:$0x3] =	sbarrier.arrive $0xFFFF;
	s2 =	simm.s32 @!p0 $0x1C01  }
0xad: {  	[timem:s3], [sflag:s2] =	dma.local @!p0 [hbm:s0], s1  }
0xae: {  	s0 =	simm.s32 @!p0 $0x1  }
0xaf: {  	_ =	swait.ge @!p0 [sflag:s0], s1  }
0xb0: {  	s1 =	ssub.s32 @!p0 $0x0, s1;
	[sflag:s0] =	ssyncset.done @!p0 $0x0  }
0xb1: {  	[sflag:s0] =	ssyncadd.s32 @!p0 s1  }
0xb2: {  	[bflag:$0x3] =	sbarrier.arrive $0xFFFF  }
0xb3: {  	_ =	shalt  }

// kernel: kernel.7.cloned.1.call-start
scs
__scs_entry_jumppad:
0x0: {  	(pc) =	sbr.rel $0x88, $3  }
0x1: {  	(tag) =	ssettag $0x0;
	lr =	simm.s32 $0x1  }
0x2: {  	[smem:$0x3F9F] =	sst lr;
	_ =	strace $0xD0000000  }
0x3: {  	_ = 	snop  }
0x4: {  	_ = 	snop  }
0x5: {  	_ = 	snop  }
0x6: {  	_ = 	snop  }
0x7: {  	_ = 	snop  }
__scs_overlays_trampoline_lowered:
0x8: {  	[smem:$0x3FAE] =	sst s0  }
0x9: {  	[smem:$0x3FAF] =	sst s1  }
0xa: {  	[smem:$0x3FB0] =	sst s2  }
0xb: {  	[smem:$0x3FB1] =	sst s3  }
0xc: {  	[smem:$0x3FB2] =	sst s4  }
0xd: {  	[smem:$0x3FB3] =	sst s5  }
0xe: {  	[smem:$0x3FB4] =	sst s6  }
0xf: {  	[smem:$0x3FB5] =	sst s7  }
0x10: {  	[smem:$0x3FB6] =	sst s8  }
0x11: {  	[smem:$0x3FB7] =	sst s9;
	s0 =	simm.s32 @!p0 $0x0  }
0x12: {  	s1 =	sld [smem:$0x3F9D];
	s0 =	simm.s32 @p0 $0x1  }
0x13: {  	[smem:$0x3FB8] =	sst s0;
	s0 =	simm.s32 @!p1 $0x0  }
0x14: {  	s2 =	sld [smem:$0x3F9C];
	s0 =	simm.s32 @p1 $0x1  }
0x15: {  	[smem:$0x3FB9] =	sst s0;
	s0 =	simm.s32 @!p2 $0x0  }
0x16: {  	s3 =	sld [smem:$0x3FDB];
	s0 =	simm.s32 @p2 $0x1  }
0x17: {  	s4 =	simm.s32 $0x1BF5;
	[smem:$0x3FBB] =	sst s0  }
0x18: {  	s0 =	sld [smem:$0x3F9E];
	_ =	swait.ge [sflag:s4], $0x0  }
0x19: {  	s7 =	sld [smem:$0x3F9F]  }
0x1a: {  	s8 =	sadd.s32 $0xFFFFE003, lr  }
0x1b: {  	s9 =	sadd.s32 $0xFFFFFEF7, lr;
	s5 =	simm.s32 $0xFFFFFFFF;
	p2 =	slt.u32 s8, $0xFFFFF086  }
0x1c: {  	p1 =	slt.u32 s9, $0xF7A;
	s5 =	simm.s32 @!p2 $0x0  }
0x1d: {  	s5 =	simm.s32 @p1 $0x1;
	p0 =	seq.s32 s7, s2  }
0x1e: {  	s7 =	smul.u32 @!p0 $0xF7A, s2;
	p2 =	seq.s32 @!p0 s5, $0x0  }
0x1f: {  	s9 =	smul.u32 $0xF7A, s1;
	s8 =	simm.s32 @!p0 $0x1BF5;
	p2 =	por !p2, p0  }
0x20: {  	[sflag:s8] =	ssyncset.s32 @!p0 $0xFFFFF086;
	s6 =	sadd.s32 @!p0 s3, s7;
	s7 =	simm.s32 @!p0 $0x108  }
0x21: {  	s3 =	sadd.s32 s3, s9;
	s6 =	sadd.s32 @!p0 $0x88, s6;
	s7 =	simm.s32 @p2 $0x1082  }
0x22: {  	[simem:s7], [sflag:s8] =	dma.local @!p0 [hbm:s6], $0xF7A  }
0x23: {  	s9 =	sor.u32 $0xD0000000, s2;
	s6 =	simm.s32 $0x108;
	_ =	swait.ge @!p0 [sflag:s8], $0x0  }
0x24: {  	s3 =	sadd.s32 $0x88, s3;
	s6 =	simm.s32 @!p1 $0x1082;
	[sflag:s4] =	ssyncset.s32 $0xFFFFF086  }
0x25: {  	[simem:s6], [sflag:s4] =	dma.local [hbm:s3], $0xF7A  }
0x26: {  	[smem:$0x3F9F] =	sst s1;
	(tag) =	ssettag s2;
	_ =	strace s9  }
0x27: {  	s1 =	sld [smem:$0x3FAF]  }
0x28: {  	s2 =	sld [smem:$0x3FB0]  }
0x29: {  	s4 =	sld [smem:$0x3FB2]  }
0x2a: {  	p0 =	seq.s32 s5, $0x0;
	s5 =	sld [smem:$0x3FB3]  }
0x2b: {  	s6 =	sld [smem:$0x3FB4]  }
0x2c: {  	s7 =	sld [smem:$0x3FB5]  }
0x2d: {  	s3 =	simm.s32 $0x108;
	s8 =	sld [smem:$0x3FB6]  }
0x2e: {  	s3 =	simm.s32 @!p0 $0x1082;
	s9 =	sld [smem:$0x3FB7]  }
0x2f: {  	lr =	sadd.s32 s0, s3;
	s0 =	sld [smem:$0x3FAE]  }
0x30: {  	s3 =	sld [smem:$0x3FB1]  }
0x31: {  	[smem:$0x3FBA] =	sst s10  }
0x32: {  	s10 =	sld [smem:$0x3FB8];
	_ =	sdelay $0x3  }
0x33: {  	p0 =	seq.s32 s10, $0x1;
	s10 =	sld [smem:$0x3FBA];
	_ =	sdelay $0x3  }
0x34: {  	[smem:$0x3FBA] =	sst s10  }
0x35: {  	s10 =	sld [smem:$0x3FB9];
	_ =	sdelay $0x3  }
0x36: {  	p1 =	seq.s32 s10, $0x1;
	s10 =	sld [smem:$0x3FBA];
	_ =	sdelay $0x3  }
0x37: {  	[smem:$0x3FBA] =	sst s10  }
0x38: {  	s10 =	sld [smem:$0x3FBB]  }
0x39: {  	_ = 	snop;
	(pc) =	sbr.ind lr, $3  }
0x3a: {  	_ = 	snop  }
0x3b: {  	_ = 	snop  }
0x3c: {  	p2 =	seq.s32 s10, $0x1;
	s10 =	sld [smem:$0x3FBA]  }
0x3d: {  	_ =	shalt  }
0x3e: {  	_ =	shalt  }
0x3f: {  	_ =	shalt  }
0x40: {  	_ =	shalt  }
0x41: {  	_ =	shalt  }
0x42: {  	_ =	shalt  }
0x43: {  	_ =	shalt  }
0x44: {  	_ =	shalt  }
0x45: {  	_ =	shalt  }
0x46: {  	_ =	shalt  }
0x47: {  	_ =	shalt  }
0x48: {  	_ =	shalt  }
0x49: {  	_ =	shalt  }
0x4a: {  	_ =	shalt  }
0x4b: {  	_ =	shalt  }
0x4c: {  	_ =	shalt  }
0x4d: {  	_ =	shalt  }
0x4e: {  	_ =	shalt  }
0x4f: {  	_ =	shalt  }
0x50: {  	_ =	shalt  }
0x51: {  	_ =	shalt  }
0x52: {  	_ =	shalt  }
0x53: {  	_ =	shalt  }
0x54: {  	_ =	shalt  }
0x55: {  	_ =	shalt  }
0x56: {  	_ =	shalt  }
0x57: {  	_ =	shalt  }
0x58: {  	_ =	shalt  }
0x59: {  	_ =	shalt  }
0x5a: {  	_ =	shalt  }
0x5b: {  	_ =	shalt  }
0x5c: {  	_ =	shalt  }
0x5d: {  	_ =	shalt  }
0x5e: {  	_ =	shalt  }
0x5f: {  	_ =	shalt  }
0x60: {  	_ =	shalt  }
0x61: {  	_ =	shalt  }
0x62: {  	_ =	shalt  }
0x63: {  	_ =	shalt  }
0x64: {  	_ =	shalt  }
0x65: {  	_ =	shalt  }
0x66: {  	_ =	shalt  }
0x67: {  	_ =	shalt  }
0x68: {  	_ =	shalt  }
0x69: {  	_ =	shalt  }
0x6a: {  	_ =	shalt  }
0x6b: {  	_ =	shalt  }
0x6c: {  	_ =	shalt  }
0x6d: {  	_ =	shalt  }
0x6e: {  	_ =	shalt  }
0x6f: {  	_ =	shalt  }
0x70: {  	_ =	shalt  }
0x71: {  	_ =	shalt  }
0x72: {  	_ =	shalt  }
0x73: {  	_ =	shalt  }
0x74: {  	_ =	shalt  }
0x75: {  	_ =	shalt  }
0x76: {  	_ =	shalt  }
0x77: {  	_ =	shalt  }
0x78: {  	_ =	shalt  }
0x79: {  	_ =	shalt  }
0x7a: {  	_ =	shalt  }
0x7b: {  	_ =	shalt  }
0x7c: {  	_ =	shalt  }
0x7d: {  	_ =	shalt  }
0x7e: {  	_ =	shalt  }
0x7f: {  	_ =	shalt  }
0x80: {  	_ =	shalt  }
0x81: {  	_ =	shalt  }
0x82: {  	_ =	shalt  }
0x83: {  	_ =	shalt  }
0x84: {  	_ =	shalt  }
0x85: {  	_ =	shalt  }
0x86: {  	_ =	shalt  }
0x87: {  	_ =	shalt  }
.Lfunc_end0:
.L_simem_size_0:
called_computation.1_lowered:
.L_overlay_start_0:
0x88: {  	s2 =	sld [smem:$0x3FD9]  }
0x89: {  	s3 =	sld [smem:$0x3FFE];
	_ =	sdelay $0x1  }
0x8a: {  	s1 =	srdreg.scid  }
0x8b: {  	s0 =	sand.u32 $0x1, s1  }
0x8c: {  	s14 =	sshll.u32 s0, $0xA;
	s2 =	sadd.s32 s3, s2  }
0x8d: {  	s2 =	sadd.s32 s2, s14  }
0x8e: {  	[smem:$0x3FC6] =	sst s2  }
0x8f: {  	_ = 	snop  }
0x90: {  	s2 =	sld [smem:$0x3FD0];
	_ =	sdelay $0x2  }
0x91: {  	s4 =	simm.s32 $0xA;
	s5 =	simm.s32 $0x10;
	s15 =	sld [smem:$0x3FC8]  }
0x92: {  	[smem:s5], [sflag:s4] =	dma.local [hbm:s2], $0x1  }
0x93: {  	_ =	swait.eq [sflag:s4], $0x1  }
0x94: {  	s16 =	sld [smem:$0x10];
	[sflag:s4] =	ssyncset.done $0x0  }
0x95: {  	s17 =	sld [smem:$0x11];
	[sflag:s4] =	ssyncadd.s32 $0xFFFFFFFF  }
0x96: {  	s18 =	sld [smem:$0x12];
	(tm) =	ssettm $0x1  }
0x97: {  	s6 =	sld [smem:$0x3FFB];
	_ =	sdelay $0x3  }
0x98: {  	_ =	strace s6  }
0x99: {  	s6 =	sld [smem:$0x3FFC];
	_ =	sdelay $0x3  }
0x9a: {  	_ =	strace s6  }
0x9b: {  	s6 =	sld [smem:$0x3FFD];
	_ =	sdelay $0x3  }
0x9c: {  	_ =	strace s6  }
0x9d: {  	_ =	strace $0x8FFFFFFF  }
0x9e: {  	s19 =	sld [smem:$0x3FDB];
	_ =	sdelay $0x1  }
0x9f: {  	s7 =	simm.s32 $_scs_section_size  }
0xa0: {  	s8 =	simm.s32 $_size__tile_overlayer_lowered;
	s9 =	simm.s32 $_tile_overlayer_lowered  }
0xa1: {  	s22 =	simm.s32 $0x1BFF;
	s21 =	sshll.u32 s9, $0x1;
	s6 =	sadd.s32 s7, s19  }
0xa2: {  	s10 =	simm.s32 $0x0;
	s20 =	sshll.u32 s8, $0x1;
	s8 =	sadd.s32 s21, s6  }
0xa3: {  	[timem:s10], [sflag:s22] =	dma.local [hbm:s8], s20  }
0xa4: {  	_ =	swait.ge [sflag:s22], s20  }
0xa5: {  	s7 =	ssub.s32 $0x0, s20;
	[sflag:s22] =	ssyncset.done $0x0  }
0xa6: {  	[sflag:s22] =	ssyncadd.s32 s7;
	_ =	sdelay $0x1  }
0xa7: {  	s23 =	simm.s32 $0x1B8B  }
0xa8: {  	_ =	swait.ge [sflag:s23], $0x1  }
0xa9: {  	[sflag:s23] =	ssyncset.done $0x0  }
0xaa: {  	s25 =	simm.s32 $0x1B8E;
	s24 =	sld [smem:$0x3FFE];
	[sflag:s23] =	ssyncadd.s32 $0xFFFFFFFF  }
0xab: {  	s26 =	simm.s32 $execute0_lowered;
	[smem:$0x3FD2] =	sst s25  }
0xac: {  	s8 =	sshll.u32 s26, $0x1;
	_ =	strace $0x80000049;
	[dreg:$0x1] =	wrdreg $0xFFFFFFFF  }
0xad: {  	s28 =	simm.s32 $_size_execute0_lowered;
	s6 =	sadd.s32 s6, s8;
	[dreg:$0x0] =	wrdreg $0x0  }
0xae: {  	s8 =	sshll.u32 s28, $0x1;
	[dreg:$0x2] =	wrdreg s6  }
0xaf: {  	[dreg:$0x3] =	wrdreg s8  }
0xb0: {  	[dreg:$0x4] =	wrdreg $0xC0  }
0xb1: {  	_ =	task [dreg:s10], $0x5FFFF  }
0xb2: {  	[dreg:$0x1] =	wrdreg $0xFFFFFFFF  }
0xb3: {  	[dreg:$0x0] =	wrdreg $0x60  }
0xb4: {  	[dreg:$0x2] =	wrdreg s24  }
0xb5: {  	[dreg:$0x3] =	wrdreg s16  }
0xb6: {  	[dreg:$0x4] =	wrdreg s15  }
0xb7: {  	[dreg:$0x5] =	wrdreg s18  }
0xb8: {  	[dreg:$0x6] =	wrdreg s17  }
0xb9: {  	[dreg:$0x7] =	wrdreg $0x9  }
0xba: {  	_ =	task.clear_ibuf [dreg:s10], $0x8FFFF;
	_ =	strace $0x90000049  }
0xbb: {  	s29 =	simm.s32 $0x9;
	_ =	strace $0x8000004B  }
0xbc: {  	_ =	swait.ge [sflag:s29], $0x1  }
0xbd: {  	[sflag:s29] =	ssyncadd.s32 $0xFFFFFFFF  }
0xbe: {  	_ =	strace $0x9000004B  }
0xbf: {  	_ =	sfence  }
0xc0: {  	s30 =	sld [smem:$0x0];
	_ =	sdelay $0x2  }
0xc1: {  	s31 =	sshll.u32 s1, $0xD;
	s1 =	sshrl.u32 s1, $0x2  }
0xc2: {  	s3 =	sand.u32 $0x4000, s31;
	s1 =	sadd.s32 s1, s30  }
0xc3: {  	s0 =	sor.u32 s3, s0;
	s1 =	sshll.u32 s1, $0x11  }
0xc4: {  	s0 =	sor.u32 s1, s0  }
0xc5: {  	s0 =	sadd.s32 $0x8F2B, s0  }
0xc6: {  	[sflag:s0] =	ssyncadd.remote.s32 $0x1  }
0xc7: {  	_ =	sfence.sel $0xFFFF  }
0xc8: {  	[dreg:$0x0] =	wrdreg $0xFFFFFFFF;
	(pc) =	sbr.abs _section_cstart, $3  }
0xc9: {  	[dreg:$0x1] =	wrdreg $0xFFFFFFFF  }
0xca: {  	_ =	task.clear_ibuf [dreg:s10], $0x2FFFF;
	_ =	strace $0x9FFFFFFF  }
0xcb: {  	(tm) =	ssettm $0x7FFFFFFF  }
tec
execute0_lowered:
.L_overlay_start_1:
0x0: {  	(tag) =	ssettag $0x1  }
0x1: {  	s0 =	rddreg [dreg:$0x0]  }
0x2: {  	s1 =	rddreg [dreg:$0x3]  }
0x3: {  	s2 =	rddreg [dreg:$0x4];
	s3 =	srdreg.scid  }
0x4: {  	s4 =	simm.s32 $0x0;
	s5 =	stileid.u32;
	s17 =	simm.s32 $0x1  }
0x5: {  	s28 =	simm.s32 $0x8200;
	s29 =	simm.s32 $0xAA80;
	s30 =	simm.s32 $0xD300  }
0x6: {  	s31 =	simm.s32 $0xFB80;
	s3 =	sand.u32 $0x1, s3;
	[smem:$0x7FF] =	sst s4  }
0x7: {  	s5 =	sshll.u32 s5, $0xD;
	s7 =	sadd.s32 $0x1600, s0;
	s18 =	sadd.s32 $0x1400, s0  }
0x8: {  	s20 =	sadd.s32 $0x1800, s0;
	_ =	strace $0x8000004A;
	[dreg:$0x6] =	wrdreg s7  }
0x9: {  	s6 =	sshll.u32 s3, $0xC;
	[dreg:$0x7] =	wrdreg s18;
	s3 =	ssub.s32 $0x2, s3  }
0xa: {  	[dreg:$0x8] =	wrdreg s20;
	s18 =	simm.s32 $0x800;
	s6 =	sor.u32 s6, s5  }
0xb: {  	s20 =	simm.s32 $0x2000;
	s22 =	sshrl.u32 s3, $0x1;
	s19 =	sshrl.u32 s6, $0x3  }
0xc: {  	s3 =	ssub.s32 s3, s22;
	s22 =	simm.s32 $0x3000;
	s21 =	sadd.s32 s19, s0  }
0xd: {  	s0 =	sadd.s32 $0x1000, s6;
	s1 =	sadd.s32 s1, s19;
	s24 =	sadd.s32 s2, s19  }
0xe: {  	s16 =	smax.u32 s3, $0x1;
	s19 =	simm.s32 $0x1000;
	[dreg:$0x9] =	wrdreg s1  }
.Ltmp0:
0xf: {  	s23 =	sadd.s32 $0x1A00, s21;
	[dreg:$0xb] =	wrdreg s24;
	(pc) =	sbr.rel .LBB2_1-.Ltmp0, $4  }
0x10: {  	s25 =	sadd.s32 $0x5A00, s21;
	s26 =	sadd.s32 $0x9A00, s21;
	[dreg:$0xa] =	wrdreg s23  }
0x11: {  	v1 =	vimm.s32 $0x0;
	s15 =	sadd.s32 $0xDA00, s21;
	s21 =	simm.s32 $0x1800;
	[dreg:$0xc] =	wrdreg s25  }
0x12: {  	v2 =	vimm.s32 $0x800;
	v3 =	vlaneseq.u32;
	v5 =	vimm.s32 $0xFFFFFFFF;
	s24 =	simm.s32 $0x2800;
	s1 =	simm.s32 $0x0;
	[dreg:$0xd] =	wrdreg s26  }
0x13: {  	v6 =	vimm.f32 $0.0e+00;
	v4 =	vadd.s32 $0xFFFFFFFF, v3;
	v0 =	vmov s6;
	s23 =	simm.s32 $0x3080;
	s25 =	simm.s32 $0x3100;
	s26 =	simm.s32 $0x5980  }
.LBB2_23:
0x14: {  	s2 =	rddreg [dreg:$0x9];
	s3 =	simm.s32 $0x3900  }
0x15: {  	[hbm4b:s2+s4] =	stream.linear.scatter [tilespmem:s3], [sflag:$0x1], $0x1000, $0x38;
	[tilespmem:$0x12400] =	vst v63  }
0x16: {  	_ =	swait.ge [sflag:s17], $0x1000  }
0x17: {  	[sflag:s17] =	ssyncset.done $0x0  }
0x18: {  	s7 =	simm.s32 $0x6180;
	s5 =	rddreg [dreg:$0xa];
	[sflag:s17] =	ssyncadd.s32 $0xFFFFF000  }
0x19: {  	[hbm4b:s5+s4] =	stream.linear.scatter [tilespmem:s7], [sflag:$0x1], $0x1000, $0x38;
	[tilespmem:$0x12400] =	vst v63  }
0x1a: {  	_ =	swait.ge [sflag:s17], $0x1000  }
0x1b: {  	[sflag:s17] =	ssyncset.done $0x0  }
0x1c: {  	s9 =	simm.s32 $0x8A00;
	s8 =	rddreg [dreg:$0xb];
	[sflag:s17] =	ssyncadd.s32 $0xFFFFF000  }
0x1d: {  	[hbm4b:s8+s4] =	stream.linear.scatter [tilespmem:s9], [sflag:$0x1], $0x1000, $0x38;
	[tilespmem:$0x12400] =	vst v63  }
0x1e: {  	_ =	swait.ge [sflag:s17], $0x1000  }
0x1f: {  	[sflag:s17] =	ssyncset.done $0x0  }
0x20: {  	s11 =	simm.s32 $0xB280;
	s10 =	rddreg [dreg:$0xc];
	[sflag:s17] =	ssyncadd.s32 $0xFFFFF000  }
0x21: {  	[hbm4b:s10+s4] =	stream.linear.scatter [tilespmem:s11], [sflag:$0x1], $0x1000, $0x38;
	[tilespmem:$0x12400] =	vst v63  }
0x22: {  	_ =	swait.ge [sflag:s17], $0x1000  }
0x23: {  	[sflag:s17] =	ssyncset.done $0x0  }
0x24: {  	s13 =	simm.s32 $0xDB00;
	s12 =	rddreg [dreg:$0xd];
	[sflag:s17] =	ssyncadd.s32 $0xFFFFF000  }
0x25: {  	[hbm4b:s12+s4] =	stream.linear.scatter [tilespmem:s13], [sflag:$0x1], $0x1000, $0x38;
	[tilespmem:$0x12400] =	vst v63  }
0x26: {  	s1 =	sadd.s32 $0x1, s1;
	_ =	swait.ge [sflag:s17], $0x1000  }
0x27: {  	p0 =	sne.s32 s1, s16;
	[sflag:s17] =	ssyncset.done $0x0  }
.Ltmp1:
0x28: {  	s14 =	simm.s32 $0x10380;
	[sflag:s17] =	ssyncadd.s32 $0xFFFFF000;
	(pc) =	sbr.rel @!p0 .LBB2_24-.Ltmp1, $4  }
0x29: {  	[hbm4b:s15+s4] =	stream.linear.scatter [tilespmem:s14], [sflag:$0x1], $0x1000, $0x38;
	[tilespmem:$0x12400] =	vst v63  }
0x2a: {  	_ =	swait.ge [sflag:s17], $0x1000  }
0x2b: {  	[sflag:s17] =	ssyncset.done $0x0  }
0x2c: {  	[sflag:s17] =	ssyncadd.s32 $0xFFFFF000  }
.LBB2_1:
0x2d: {  	s2 =	rddreg [dreg:$0x6]  }
0x2e: {  	[tilespmem:s4], [sflag:$0x1] =	stream.linear.gather [hbm4b:s2+s4], $0x800, $0x38;
	[tilespmem:$0x12400] =	vst v63  }
0x2f: {  	_ =	swait.ge [sflag:s17], $0x800  }
0x30: {  	[sflag:s17] =	ssyncset.done $0x0  }
0x31: {  	s11 =	rddreg [dreg:$0x7];
	[sflag:s17] =	ssyncadd.s32 $0xFFFFF800  }
0x32: {  	[tilespmem:s18], [sflag:$0x1] =	stream.linear.gather [hbm4b:s11+s4], $0x800, $0x38;
	[tilespmem:$0x12400] =	vst v63  }
0x33: {  	_ =	swait.ge [sflag:s17], $0x800  }
0x34: {  	[sflag:s17] =	ssyncset.done $0x0  }
0x35: {  	[sflag:s17] =	ssyncadd.s32 $0xFFFFF800  }
0x36: {  	s12 =	rddreg [dreg:$0x1]  }
0x37: {  	[tilespmem:s19], [sflag:$0x1] =	stream.linear.gather [hbm4b:s12+s4], $0x800, $0x38;
	[tilespmem:$0x12400] =	vst v63  }
0x38: {  	_ =	swait.ge [sflag:s17], $0x800  }
0x39: {  	[sflag:s17] =	ssyncset.done $0x0  }
0x3a: {  	[sflag:s17] =	ssyncadd.s32 $0xFFFFF800  }
0x3b: {  	s13 =	rddreg [dreg:$0x2]  }
0x3c: {  	[tilespmem:s21], [sflag:$0x1] =	stream.linear.gather [hbm4b:s13+s4], $0x800, $0x38;
	[tilespmem:$0x12400] =	vst v63  }
0x3d: {  	_ =	swait.ge [sflag:s17], $0x800  }
0x3e: {  	[sflag:s17] =	ssyncset.done $0x0  }
0x3f: {  	s14 =	rddreg [dreg:$0x8];
	[sflag:s17] =	ssyncadd.s32 $0xFFFFF800  }
0x40: {  	[tilespmem:s20], [sflag:$0x1] =	stream.linear.gather [hbm4b:s14+s4], $0x800, $0x38;
	[tilespmem:$0x12400] =	vst v63  }
0x41: {  	_ =	swait.ge [sflag:s17], $0x800  }
0x42: {  	[sflag:s17] =	ssyncset.done $0x0  }
0x43: {  	[sflag:s17] =	ssyncadd.s32 $0xFFFFF800  }
0x44: {  	[tilespmem:$0x3000] =	vst v1  }
0x45: {  	s3 =	simm.s32 $0x0;
	s2 =	simm.s32 $0x1800;
	[tilespmem:$0x3080] =	vst v2  }
.LBB2_2:
0x46: {  	v7 =	vadd.s32 s3, v4  }
0x47: {  	vm0 =	vgt.s32 v7, $0x0  }
0x48: {  	v7 =	vnsel vm0, $0x0, v7;
	_ =	sdelay $0x3  }
0x49: {  	v8 =	vld [tilespmem:s2+$0x0]  }
0x4a: {  	v7 =	vld.idx.msk [tilespmem:v7+s21+$0x0], $0xffff;
	_ =	sdelay $0x4  }
0x4b: {  	vm15 =	vne.s32 v8, v7;
	_ =	sdelay $0x1  }
0x4c: {  	p0 =	sne.s32 s3, $0x7F0  }
.Ltmp2:
0x4d: {  	_ = 	snop;
	(pc) =	sbr.rel @p0 .LBB2_2-.Ltmp2, $4  }
0x4e: {  	_ = 	snop  }
0x4f: {  	v9 =	vor.u32 s3, v3  }
0x50: {  	[tilespmem:v8+s22+$0x0] =	vst.idx.msk vm15, v9  }
0x51: {  	s2 =	sadd.s32 $0x10, s2;
	s3 =	sadd.s32 $0x10, s3;
	[tilespmem:v7+s23+$0x0] =	vst.idx.msk vm15, v9  }
0x52: {  	s2 =	simm.s32 $0x2000  }
0x53: {  	v7 =	vld [tilespmem:s2+$0x0];
	_ =	sdelay $0x4  }
0x54: {  	(xrf0) =	vadd.scan.msk.s32 $0xffff, v7;
	_ =	sdelay $0x2  }
0x55: {  	v8 =	vimm.s32 $0x0  }
0x56: {  	s14 =	simm.s32 $0xF  }
0x57: {  	v9 =	vmov s14  }
0x58: {  	v7 =	vsub.s32 v8, v7;
	v8, _, _ =	vpop (xrf0)  }
0x59: {  	s2 =	simm.s32 $0x2800;
	v7 =	vadd.s32 v8, v7  }
0x5a: {  	s3 =	simm.s32 $0x2010;
	[tilespmem:s2+$0x0] =	vst v7  }
0x5b: {  	v7 =	vld [tilespmem:s3+$0x0]  }
0x5c: {  	v8 =	vld.idx.msk [tilespmem:v9+s24+$0x0], $0xffff  }
0x5d: {  	v9 =	vld.idx.msk [tilespmem:v9+s20+$0x0], $0xffff  }
0x5e: {  	s5 =	simm.s32 $0x1F;
	s7 =	simm.s32 $0x2F  }
.LBB2_4:
0x5f: {  	p0 =	sne.s32 s7, $0x7FF  }
0x60: {  	(xrf0) =	vadd.scan.msk.s32 $0xffff, v7;
	s2 =	sadd.s32 $0x10, s2;
	s8 =	smov.u32 s7;
	s7 =	sadd.s32 $0x10, s7  }
0x61: {  	_ = 	snop  }
0x62: {  	v8 =	vadd.s32 v8, v9;
	_ =	sdelay $0x2  }
0x63: {  	v9 =	vmov s5;
	s5 =	smov.u32 s8  }
0x64: {  	v7 =	vsub.s32 v8, v7;
	v8, _, _ =	vpop (xrf0)  }
0x65: {  	v7 =	vadd.s32 v8, v7  }
0x66: {  	s3 =	sadd.s32 $0x10, s3;
	[tilespmem:s2+$0x0] =	vst v7  }
0x67: {  	v7 =	vld [tilespmem:s3+$0x0]  }
.Ltmp3:
0x68: {  	v8 =	vld.idx.msk [tilespmem:v9+s24+$0x0], $0xffff;
	(pc) =	sbr.rel @p0 .LBB2_4-.Ltmp3, $1  }
0x69: {  	v9 =	vld.idx.msk [tilespmem:v9+s20+$0x0], $0xffff;
	_ =	sdelay $0x3  }
0x6a: {  	(xrf0) =	vadd.scan.msk.s32 $0xffff, v7;
	_ =	sdelay $0x2  }
0x6b: {  	v8 =	vadd.s32 v8, v9;
	_ =	sdelay $0x2  }
0x6c: {  	v7 =	vsub.s32 v8, v7;
	v8, _, _ =	vpop (xrf0)  }
0x6d: {  	s2 =	sadd.s32 $0x10, s2;
	v7 =	vadd.s32 v8, v7  }
0x6e: {  	s3 =	simm.s32 $0x0;
	p0 =	por $0x1, $0x1;
	[tilespmem:s2+$0x0] =	vst v7  }
.Ltmp4:
0x6f: {  	[tilespmem:s3+$0xFB80] =	vst v6;
	(pc) =	sbr.rel @!p0 .LBB2_7-.Ltmp4, $4  }
0x70: {  	[tilespmem:s3+$0x3100] =	vst v5  }
0x71: {  	[tilespmem:s3+$0x5980] =	vst v5  }
0x72: {  	[tilespmem:s3+$0x8200] =	vst v6  }
0x73: {  	s5 =	simm.s32 $0x40;
	s2 =	simm.s32 $0x0;
	[tilespmem:s3+$0xAA80] =	vst v6  }
.LBB2_6:
0x74: {  	p0 =	sne.s32 s5, $0xA000;
	[tilespmem:s3+$0xD300] =	vst v6;
	s3 =	sshra.s32 s5, $0x2;
	s5 =	sadd.s32 $0x40, s5  }
.Ltmp5:
0x75: {  	[tilespmem:s3+$0xFB80] =	vst v6;
	(pc) =	sbr.rel @p0 .LBB2_6-.Ltmp5, $4  }
0x76: {  	[tilespmem:s3+$0x3100] =	vst v5  }
0x77: {  	[tilespmem:s3+$0x5980] =	vst v5  }
0x78: {  	[tilespmem:s3+$0x8200] =	vst v6  }
0x79: {  	[tilespmem:s3+$0xAA80] =	vst v6  }
.LBB2_7:
0x7a: {  	[tilespmem:s3+$0xD300] =	vst v6;
	s5 =	simm.s32 $0x2800  }
0x7b: {  	s3 =	simm.s32 $0x2000;
	p0 =	por $0x1, $0x1;
	v8 =	vld [tilespmem:s5+$0x0]  }
.Ltmp6:
0x7c: {  	v9 =	vld [tilespmem:s3+$0x0];
	(pc) =	sbr.rel @!p0 .LBB2_9-.Ltmp6, $2  }
0x7d: {  	_ =	sdelay $0x2  }
0x7e: {  	v7 =	vimm.s32 $0x800;
	s7 =	simm.s32 $0x2810;
	s5 =	simm.s32 $0x10  }
.LBB2_8:
0x7f: {  	v10 =	vadd.s32 v8, v9;
	v8 =	vld [tilespmem:s7+$0x0];
	s3 =	sadd.s32 $0x10, s3;
	s8 =	smov.u32 s5;
	p0 =	sne.s32 s5, $0x7F0  }
.Ltmp7:
0x80: {  	s5 =	sadd.s32 $0x10, s5;
	v11 =	vor.u32 s2, v3;
	v9 =	vld [tilespmem:s3+$0x0];
	vm0 =	vgt.s32 v10, v0;
	(pc) =	sbr.rel @p0 .LBB2_8-.Ltmp7, $4  }
0x81: {  	s2 =	smov.u32 s8;
	v10 =	vnsel vm0, $0x800, v11  }
0x82: {  	vm0 =	vlt.s32 v7, v10  }
0x83: {  	v7 =	vsel vm0, v7, v10  }
0x84: {  	s7 =	sadd.s32 $0x10, s7  }
.LBB2_9:
0x85: {  	v8 =	vadd.s32 v8, v9  }
0x86: {  	v63 =	vor.u32 s2, v3;
	vm0 =	vgt.s32 v8, v0  }
0x87: {  	v8 =	vnsel vm0, $0x800, v63  }
0x88: {  	vm0 =	vlt.s32 v7, v8  }
0x89: {  	v7 =	vsel vm0, v7, v8  }
0x8a: {  	v7 =	vxor.u32 $0x80000000, v7  }
0x8b: {  	(xrf0) =	vmin.scan.msk.u32 $0xffff, v7;
	_ =	sdelay $0x5  }
0x8c: {  	v7, _, _ =	vpop (xrf0)  }
0x8d: {  	(v2sf) =	vpush v7, $0xF;
	_ =	sdelay $0xe  }
0x8e: {  	s13 =	spop (v2sf)  }
0x8f: {  	s2 =	sxor.u32 $0x80000000, s13  }
0x90: {  	p0 =	slt.s32 s2, $0x7FF;
	s3 =	smov.u32 s2  }
0x91: {  	s3 =	simm.s32 @!p0 $0x7FF  }
0x92: {  	v7 =	vmov s3;
	_ =	sdelay $0x4  }
0x93: {  	v7 =	vld.idx.msk [tilespmem:v7+s24+$0x0], $0xffff;
	_ =	sdelay $0x4  }
0x94: {  	v7 =	vxor.u32 $0x80000000, v7  }
0x95: {  	(xrf0) =	vmax.scan.msk.u32 $0xffff, v7;
	_ =	sdelay $0x5  }
0x96: {  	v7, _, _ =	vpop (xrf0)  }
0x97: {  	(v2sf) =	vpush v7, $0xF;
	_ =	sdelay $0xe  }
0x98: {  	s14 =	spop (v2sf)  }
0x99: {  	s9 =	smov.u32 s0;
	p0 =	slt.s32 s2, $0x800;
	s3 =	sxor.u32 $0x80000000, s14  }
0x9a: {  	p1 =	sgt.s32 s2, $0x7FF;
	s9 =	smov.u32 @p0 s3  }
0x9b: {  	p0 =	sge.s32 @!p1 s9, s0  }
0x9c: {  	p0 =	por p1, p0  }
.Ltmp8:
0x9d: {  	_ = 	snop;
	(pc) =	sbr.rel @!p0 .LBB2_10-.Ltmp8, $4  }
.Ltmp9:
0x9e: {  	_ = 	snop;
	(pc) =	sbr.rel @p0 .LBB2_23-.Ltmp9, $4  }
0x9f: {  	_ = 	snop  }
0xa0: {  	_ = 	snop  }
0xa1: {  	_ = 	snop  }
0xa2: {  	_ = 	snop  }
.LBB2_12:
0xa3: {  	v31 =	vmov v8;
	s5 =	smov.u32 s7;
	s3 =	smov.u32 s10;
	v24 =	vmov v8  }
.LBB2_21:
0xa4: {  	_ = 	snop  }
0xa5: {  	v13 =	vsub.f32 v13, v29;
	v15 =	vsub.f32 v15, v36;
	_ =	sdelay $0x1  }
0xa6: {  	v52 =	vmul.f32 v13, v13;
	v41 =	vmul.f32 v15, v15;
	v14 =	vsub.f32 v14, v34  }
0xa7: {  	v29 =	vmul.f32 @p0 v32, v38  }
0xa8: {  	s5 =	sadd.s32 @p0 $0x10, s5;
	v36 =	vadd.f32 v41, v52;
	v53 =	vmul.f32 v14, v14  }
0xa9: {  	vm2 =	vmand @p0 vm4, vm2;
	[tilespmem:v26+s29+$0x0] =	vst.idx.msk @p2 vm1, v30;
	vm3 =	vmmov @p1 vm3;
	s7 =	smov.u32 @p0 s5;
	v29 =	vmul.f32 @p0 v32, v29  }
0xaa: {  	v18 =	vpsel p0, v19, v18;
	v54 =	vld [tilespmem:s7+$0x0];
	v34 =	vmul.f32 @p1 v46, v37;
	v36 =	vadd.f32 v53, v36  }
0xab: {  	v12 =	vpsel p0, v16, v12;
	v17 =	vpsel p0, v20, v17;
	[tilespmem:v26+s30+$0x0] =	vst.idx.msk @p2 vm1, v35;
	v29 =	vsub.f32 @p0 $1.500000000e+00, v29  }
0xac: {  	s3 =	sadd.s32 @p1 $0x10, s3;
	s5 =	smov.u32 s10;
	[tilespmem:v26+s31+$0x0] =	vst.idx.msk @p2 vm1, v33;
	vm1 =	vmmov @p1 vm3;
	v37 =	vmovc @p0 v38;
	v28 =	vmul.f32 @p1 v34, v28;
	v55 =	vmax.f32 v36, $1.000000000e-30  }
0xad: {  	s5 =	smov.u32 @p1 s3;
	v46, _, _ =	vpop @p1 (xrf0);
	v29 =	vmul.f32 @p0 v32, v29;
	v45 =	vshra.s32 v55, $0x1;
	v38 =	vmul.f32 $5.000000000e-01, v55  }
0xae: {  	s3 =	sadd.s32 @p0 $0x10, s5;
	v30 =	vadd.s32 @p1 v46, v39;
	v28 =	vmul.f32 @p1 v28, v34;
	v45 =	vsub.s32 $0x5F3759DF, v45  }
0xaf: {  	s10 =	smov.u32 @p0 s3;
	vm5 =	veq.s32 v54, v9;
	v43 =	vmul.f32 @p0 v29, v37;
	v9 =	vmul.f32 v45, v38  }
0xb0: {  	v56 =	vor.u32 s10, v3;
	v32 =	vor.u32 @p0 s5, v3;
	v28 =	vsub.f32 @p1 $1.500000000e+00, v28  }
0xb1: {  	vm4 =	vne.s32 @p0 v32, v7;
	v43 =	vmul.f32 @p0 v43, v29;
	v9 =	vmul.f32 v45, v9  }
0xb2: {  	v30 =	vadd.s32 @p1 $0xFFFFFFFF, v30;
	vm4 =	vmand @p0 vm4, vm2;
	v28 =	vmul.f32 @p1 v28, v34  }
0xb3: {  	v34 =	vsel @p0 vm4, $0x1, v1;
	v35 =	vsub.f32 @p0 $1.500000000e+00, v43;
	v9 =	vsub.f32 $1.500000000e+00, v9  }
0xb4: {  	v22 =	vpsel p0, v37, v22;
	vm14 =	vne.s32 v56, v7;
	v26 =	vpsel p1, v30, v0;
	(xrf0) =	vadd.scan.msk.s32 @p0 $0xffff, v34  }
0xb5: {  	v20 =	vmovc @p0 v32;
	v23 =	vpsel p0, v29, v23;
	v25 =	vpsel p0, v35, v25;
	v9 =	vmul.f32 v45, v9  }
0xb6: {  	v20 =	vpsel p0, v20, v21;
	vm13 =	vlt.f32 v36, $2.500000000e+01;
	v23 =	vmul.f32 @p0 v25, v23  }
0xb7: {  	v39 =	vmpcnt.ones.xlane @p0 vm4;
	vm2 =	vmand vm5, vm13;
	v57 =	vmul.f32 v9, v38  }
0xb8: {  	vm0 =	vmmov @p0 vm4;
	vm2 =	vmand vm14, vm2;
	v19 =	vmul.f32 @p0 v23, v22  }
0xb9: {  	[tilespmem:v30+s25+$0x0] =	vst.idx.msk @p1 vm3, v7;
	v29 =	vadd.s32 @p0 v31, v39;
	v58 =	vsel vm2, $0x1, v1;
	v25 =	vmul.f32 v57, v9  }
0xba: {  	v31 =	vpsel p0, v31, v8;
	v28 =	vmul.f32 @p1 v28, v48;
	v35, _, _ =	vpop @p0 (xrf0);
	(xrf0) =	vadd.scan.msk.s32 $0xffff, v58;
	v19 =	vmul.f32 @p0 v19, v23  }
0xbb: {  	vm0 =	vmmov @p0 vm0;
	[tilespmem:v30+s26+$0x0] =	vst.idx.msk @p1 vm3, v27;
	v34 =	vmovc @p1 v44;
	v27 =	vadd.s32 @p0 v35, v31;
	v25 =	vsub.f32 $1.500000000e+00, v25  }
0xbc: {  	v34 =	vpsel p1, v34, v0;
	[tilespmem:v30+s28+$0x0] =	vst.idx.msk @p1 vm3, v28;
	v22 =	vmovc @p1 v42;
	v16 =	vadd.s32 @p0 $0xFFFFFFFF, v27;
	v19 =	vsub.f32 @p0 $1.500000000e+00, v19  }
0xbd: {  	[tilespmem:v26+s29+$0x0] =	vst.idx.msk @p1 vm1, v34;
	v22 =	vpsel p1, v22, v0;
	v9 =	vmul.f32 v25, v9  }
0xbe: {  	vm3 =	vmmov @p0 vm0;
	v31 =	vmov @p1 v40;
	[tilespmem:v26+s30+$0x0] =	vst.idx.msk @p1 vm1, v22;
	v19 =	vmul.f32 @p0 v19, v23  }
0xbf: {  	v27 =	vpsel p1, v31, v0;
	v22 =	vpsel p0, v16, v0;
	v59 =	vmul.f32 v9, v38  }
0xc0: {  	v24 =	vpsel p0, v29, v24;
	[tilespmem:v26+s31+$0x0] =	vst.idx.msk @p1 vm1, v27;
	v60, _, _ =	vpop (xrf0);
	v17 =	vmul.f32 @p0 v19, v17  }
0xc1: {  	[tilespmem:v16+s25+$0x0] =	vst.idx.msk @p0 vm0, v7;
	v19 =	vadd.s32 v60, v24;
	v61 =	vmul.f32 v59, v9  }
0xc2: {  	v10 =	vpsel p0, v11, v10;
	v11 =	vmov @p0 v18;
	[tilespmem:v16+s26+$0x0] =	vst.idx.msk @p0 vm0, v20;
	v62 =	vadd.s32 $0xFFFFFFFF, v19  }
0xc3: {  	v11 =	vpsel p0, v11, v0;
	[tilespmem:v16+s28+$0x0] =	vst.idx.msk @p0 vm0, v17;
	v63 =	vsub.f32 $1.500000000e+00, v61  }
0xc4: {  	v12 =	vpsel p0, v12, v0;
	[tilespmem:v22+s29+$0x0] =	vst.idx.msk @p0 vm3, v11  }
0xc5: {  	v10 =	vpsel p0, v10, v0;
	[tilespmem:v22+s30+$0x0] =	vst.idx.msk @p0 vm3, v12;
	v9 =	vmul.f32 v63, v9  }
0xc6: {  	[tilespmem:v22+s31+$0x0] =	vst.idx.msk @p0 vm3, v10  }
0xc7: {  	[tilespmem:v62+s25+$0x0] =	vst.idx.msk vm2, v7;
	v7 =	vmul.f32 v9, v36  }
0xc8: {  	[tilespmem:v62+s26+$0x0] =	vst.idx.msk vm2, v56  }
0xc9: {  	[tilespmem:v62+s28+$0x0] =	vst.idx.msk vm2, v7  }
0xca: {  	v7 =	vmpcnt.ones.xlane vm2;
	[tilespmem:v62+s29+$0x0] =	vst.idx.msk vm2, v13  }
0xcb: {  	[tilespmem:v62+s30+$0x0] =	vst.idx.msk vm2, v15  }
0xcc: {  	vm15 =	vmmov vm2;
	v10 =	vadd.s32 v24, v7;
	[tilespmem:v62+s31+$0x0] =	vst.idx.msk vm2, v14  }
.LBB2_22:
0xcd: {  	v7 =	vsub.s32 v10, v8  }
0xce: {  	(v2sf) =	vpush v7, $0x0;
	_ =	sdelay $0xe  }
0xcf: {  	s3 =	spop (v2sf)  }
0xd0: {  	p0 =	sgt.s32 s2, $0x7FE;
	s9 =	sadd.s32 s9, s3  }
0xd1: {  	p1 =	slt.s32 @!p0 s9, s0  }
0xd2: {  	p0 =	por p0, !p1  }
.Ltmp10:
0xd3: {  	_ = 	snop;
	(pc) =	sbr.rel @p0 .LBB2_23-.Ltmp10, $2  }
0xd4: {  	_ =	sdelay $0x2  }
0xd5: {  	s2 =	sadd.s32 $0x1, s2  }
.LBB2_10:
0xd6: {  	v7 =	vmov s2;
	_ =	sdelay $0x4  }
0xd7: {  	v9 =	vld.idx.msk [tilespmem:v7+s21+$0x0], $0xffff;
	_ =	sdelay $0x7  }
0xd8: {  	v8 =	vld.idx.msk [tilespmem:v9+s22+$0x0], $0xffff;
	_ =	sdelay $0x1  }
0xd9: {  	v10 =	vld.idx.msk [tilespmem:v9+s23+$0x0], $0xffff;
	_ =	sdelay $0x2  }
0xda: {  	v8 =	vxor.u32 $0x80000000, v8  }
0xdb: {  	(xrf0) =	vmax.scan.msk.u32 $0xffff, v8  }
0xdc: {  	v8 =	vxor.u32 $0x80000000, v10  }
0xdd: {  	(xrf0) =	vmax.scan.msk.u32 $0xffff, v8;
	_ =	sdelay $0x3  }
0xde: {  	v8, _, _ =	vpop (xrf0)  }
0xdf: {  	(v2sf) =	vpush v8, $0xF  }
0xe0: {  	v8, _, _ =	vpop (xrf0)  }
0xe1: {  	(v2sf) =	vpush v8, $0xF;
	_ =	sdelay $0xc  }
0xe2: {  	s3 =	spop (v2sf)  }
0xe3: {  	s8 =	simm.s32 $0x1;
	s5 =	sxor.u32 $0x80000000, s3;
	p1 =	sgt.s32 s3, $0xFFFFFFFF  }
0xe4: {  	s3 =	sand.u32 $0xF, s3;
	s10 =	spop (v2sf);
	p0 =	slt.s32 s5, $0x1  }
0xe5: {  	s7 =	sshra.s32 s5, $0x1F;
	p4 =	sne.s32 s3, $0x0;
	s3 =	sadd.s32 $0x8000000F, s10  }
0xe6: {  	p0 =	por p1, p0;
	s7 =	sshrl.u32 s7, $0x1C;
	s11 =	sand.u32 $0xF, s3  }
0xe7: {  	s10 =	sshra.s32 s3, $0x1F;
	p5 =	slt.s32 s3, $0x1;
	p0 =	por !p4, !p0  }
0xe8: {  	s5 =	sadd.s32 s7, s5;
	p6 =	sne.s32 s11, $0x0;
	p0 =	por !p0, !p0  }
0xe9: {  	s12 =	sshrl.u32 s10, $0x1C;
	s8 =	simm.s32 @!p0 $0x0;
	p0 =	por !p5, !p6  }
0xea: {  	s7 =	simm.s32 $0x1;
	s3 =	sadd.s32 s12, s3;
	p0 =	por !p0, !p0  }
0xeb: {  	s5 =	sshra.s32 s5, $0x4;
	s3 =	sshra.s32 s3, $0x4;
	s7 =	simm.s32 @!p0 $0x0  }
0xec: {  	s12 =	ssub.s32 s5, s8;
	s8 =	ssub.s32 s3, s7  }
0xed: {  	p0 =	sge.s32 s12, s8  }
.Ltmp11:
0xee: {  	v13 =	vld.idx.msk [tilespmem:v7+s4+$0x0], $0xffff;
	(pc) =	sbr.rel @p0 .LBB2_22-.Ltmp11, $4  }
0xef: {  	s13 =	ssub.s32 s9, s6;
	v15 =	vld.idx.msk [tilespmem:v7+s18+$0x0], $0xffff  }
0xf0: {  	s14 =	sadd.s32 $0x800, s13  }
0xf1: {  	v14 =	vld.idx.msk [tilespmem:v7+s19+$0x0], $0xffff;
	v8 =	vmov s14  }
0xf2: {  	v10 =	vmov v8  }
0xf3: {  	s3 =	sshll.u32 s12, $0x6;
	s10 =	sshll.u32 s12, $0x4;
	s12 =	sadd.s32 $0x1, s12  }
0xf4: {  	s11 =	sshra.s32 s3, $0x2;
	p3 =	slt.s32 s12, s8  }
.Ltmp12:
0xf5: {  	s5 =	sadd.s32 $0x800, s11;
	v29 =	vld [tilespmem:s11+$0x0];
	(pc) =	sbr.rel @!p3 .LBB2_12-.Ltmp12, $4  }
0xf6: {  	v36 =	vld [tilespmem:s5+$0x0]  }
0xf7: {  	s3 =	sadd.s32 $0x1000, s11  }
0xf8: {  	p0 =	por $0x0, $0x0;
	v34 =	vld [tilespmem:s3+$0x0]  }
0xf9: {  	p1 =	por $0x0, $0x0;
	p2 =	por $0x0, $0x0;
	s7 =	sadd.s32 $0x1800, s11  }
0xfa: {  	_ = 	snop  }
0xfb: {  	v18 =	vsub.f32 v13, v29;
	v12 =	vsub.f32 v15, v36;
	_ =	sdelay $0x1  }
0xfc: {  	v11 =	vmul.f32 v18, v18;
	v16 =	vmul.f32 v12, v12;
	v10 =	vsub.f32 v14, v34;
	_ =	sdelay $0x1  }
0xfd: {  	v19 =	vld [tilespmem:s7+$0x0];
	s12 =	sadd.s32 $0x1, s12;
	v11 =	vadd.f32 v16, v11;
	v16 =	vmul.f32 v10, v10  }
0xfe: {  	s11 =	sadd.s32 $0x10, s11;
	p3 =	slt.s32 s12, s8  }
.Ltmp13:
0xff: {  	s13 =	sadd.s32 $0x10, s5;
	v29 =	vld [tilespmem:s11+$0x0];
	v17 =	vadd.f32 v16, v11;
	(pc) =	sbr.rel @!p3 .LBB2_14-.Ltmp13, $4  }
0x100: {  	v36 =	vld [tilespmem:s13+$0x0]  }
0x101: {  	s3 =	sadd.s32 $0x10, s3;
	v11 =	vmax.f32 v17, $1.000000000e-30  }
0x102: {  	v34 =	vld [tilespmem:s3+$0x0];
	vm4 =	veq.s32 v19, v9;
	v16 =	vshra.s32 v11, $0x1  }
0x103: {  	p0 =	por $0x1, $0x1;
	vm2 =	vlt.f32 v17, $2.500000000e+01;
	v22 =	vmul.f32 $5.000000000e-01, v11;
	v32 =	vsub.s32 $0x5F3759DF, v16  }
0x104: {  	_ = 	snop  }
0x105: {  	v11 =	vmul.f32 v32, v22;
	_ =	sdelay $0x1  }
0x106: {  	v11 =	vmul.f32 v32, v11  }
0x107: {  	v19 =	vsub.f32 v13, v29;
	v16 =	vsub.f32 v15, v36  }
0x108: {  	s5 =	sadd.s32 $0x10, s7;
	v20 =	vsub.f32 $1.500000000e+00, v11  }
0x109: {  	v26 =	vld [tilespmem:s5+$0x0];
	v21 =	vmul.f32 v19, v19;
	v24 =	vmul.f32 v16, v16;
	v11 =	vsub.f32 v14, v34  }
0x10a: {  	v23 =	vmul.f32 v32, v20  }
0x10b: {  	s12 =	sadd.s32 $0x1, s12;
	v20 =	vadd.f32 v24, v21;
	v24 =	vmul.f32 v11, v11;
	v21 =	vor.u32 s10, v3  }
0x10c: {  	vm0 =	vmand vm4, vm2;
	s11 =	sadd.s32 $0x10, s11;
	p3 =	slt.s32 s12, s8;
	vm1 =	vne.s32 v21, v7  }
.Ltmp14:
0x10d: {  	s13 =	sadd.s32 $0x10, s13;
	v29 =	vld [tilespmem:s11+$0x0];
	v25 =	vmul.f32 v23, v22;
	v20 =	vadd.f32 v24, v20;
	vm0 =	vmand vm1, vm0;
	(pc) =	sbr.rel @!p3 .LBB2_16-.Ltmp14, $4  }
0x10e: {  	v36 =	vld [tilespmem:s13+$0x0];
	vm4 =	veq.s32 v26, v9;
	v27 =	vsel vm0, $0x1, v1  }
0x10f: {  	s14 =	sadd.s32 $0x10, s3;
	v30 =	vmpcnt.ones.xlane vm0;
	v24 =	vmul.f32 v25, v23;
	v25 =	vmax.f32 v20, $1.000000000e-30  }
0x110: {  	v34 =	vld [tilespmem:s14+$0x0];
	vm2 =	vlt.f32 v20, $2.500000000e+01;
	v31 =	vshra.s32 v25, $0x1;
	v28 =	vmul.f32 $5.000000000e-01, v25  }
0x111: {  	p1 =	por $0x1, $0x1;
	(xrf0) =	vadd.scan.msk.s32 $0xffff, v27;
	v25 =	vsub.f32 $1.500000000e+00, v24;
	v32 =	vsub.s32 $0x5F3759DF, v31;
	v24 =	vadd.s32 v8, v30  }
0x112: {  	_ = 	snop  }
0x113: {  	v30 =	vmul.f32 v25, v23  }
0x114: {  	v26 =	vmul.f32 v32, v28  }
0x115: {  	v43 =	vsub.f32 v13, v29;
	v29 =	vmul.f32 v30, v22  }
0x116: {  	v26 =	vmul.f32 v32, v26  }
0x117: {  	vm1 =	vmmov vm0;
	v41 =	vsub.f32 v15, v36;
	v29 =	vmul.f32 v29, v30  }
0x118: {  	s5 =	sadd.s32 $0x10, s5;
	v27 =	vmul.f32 v43, v43;
	v45 =	vsub.f32 v14, v34;
	v35 =	vsub.f32 $1.500000000e+00, v26;
	v31, _, _ =	vpop (xrf0)  }
0x119: {  	v58 =	vld [tilespmem:s5+$0x0];
	v33 =	vmul.f32 v41, v41;
	v26 =	vadd.s32 v31, v8;
	v29 =	vsub.f32 $1.500000000e+00, v29  }
0x11a: {  	s3 =	sadd.s32 $0x10, s10;
	v57 =	vmul.f32 v45, v45;
	v37 =	vmul.f32 v32, v35;
	v26 =	vadd.s32 $0xFFFFFFFF, v26  }
0x11b: {  	s12 =	sadd.s32 $0x1, s12;
	v31 =	vadd.f32 v33, v27;
	v27 =	vor.u32 s3, v3;
	v30 =	vmul.f32 v29, v30  }
0x11c: {  	vm2 =	vmand vm4, vm2;
	s13 =	sadd.s32 $0x10, s13;
	p3 =	slt.s32 s12, s8;
	vm3 =	vne.s32 v27, v7;
	v59 =	vmul.f32 v37, v28  }
.Ltmp15:
0x11d: {  	s11 =	sadd.s32 $0x10, s11;
	v36 =	vld [tilespmem:s13+$0x0];
	v47 =	vadd.f32 v57, v31;
	vm3 =	vmand vm3, vm2;
	v30 =	vmul.f32 v30, v17;
	(pc) =	sbr.rel @!p3 .LBB2_18-.Ltmp15, $4  }
0x11e: {  	v39 =	vmovc v24;
	vm4 =	veq.s32 v58, v9;
	v60 =	vsel vm3, $0x1, v1;
	v61 =	vmpcnt.ones.xlane vm3;
	v29 =	vld [tilespmem:s11+$0x0]  }
0x11f: {  	s14 =	sadd.s32 $0x10, s14;
	v33 =	vmovc v10;
	v31 =	vmul.f32 v59, v37;
	vm2 =	vlt.f32 v47, $2.500000000e+01;
	v62 =	vmax.f32 v47, $1.000000000e-30;
	[tilespmem:v26+s25+$0x0] =	vst.idx.msk vm0, v7  }
0x120: {  	v34 =	vld [tilespmem:s14+$0x0];
	v35 =	vmovc v12;
	(xrf0) =	vadd.scan.msk.s32 $0xffff, v60;
	v63 =	vshra.s32 v62, $0x1;
	v38 =	vmul.f32 $5.000000000e-01, v62;
	[tilespmem:v26+s26+$0x0] =	vst.idx.msk vm0, v21  }
0x121: {  	p2 =	por $0x1, $0x1;
	v46 =	vsub.f32 $1.500000000e+00, v31;
	v32 =	vsub.s32 $0x5F3759DF, v63;
	v31 =	vadd.s32 v24, v61;
	[tilespmem:v26+s28+$0x0] =	vst.idx.msk vm0, v30;
	v30 =	vmovc v18  }
.LBB2_19:
0x122: {  	v40 =	vmul.f32 v32, v38  }
0x123: {  	s12 =	sadd.s32 $0x1, s12;
	v42 =	vmul.f32 v46, v37;
	[tilespmem:v26+s29+$0x0] =	vst.idx.msk vm1, v30;
	v30 =	vmovc v19;
	v19 =	vmov v43;
	vm5 =	vmmov vm3  }
0x124: {  	p3 =	slt.s32 s12, s8;
	v43 =	vsub.f32 v13, v29;
	[tilespmem:v26+s30+$0x0] =	vst.idx.msk vm1, v35;
	v35 =	vmov v16;
	v16 =	vmov v41  }
0x125: {  	v41 =	vsub.f32 v15, v36;
	v29 =	vmul.f32 v32, v40;
	[tilespmem:v26+s31+$0x0] =	vst.idx.msk vm1, v33;
	v33 =	vmov v11  }
0x126: {  	v26 =	vmul.f32 v42, v28;
	v11 =	vmov v45;
	v36 =	vmul.f32 v43, v43;
	v28, _, _ =	vpop (xrf0)  }
0x127: {  	v37 =	vmul.f32 v41, v41;
	v29 =	vsub.f32 $1.500000000e+00, v29;
	v40 =	vadd.s32 v28, v39;
	v28 =	vmovc v38;
	v39 =	vmovc v31  }
0x128: {  	s5 =	sadd.s32 $0x10, s5;
	s3 =	sadd.s32 $0x10, s3;
	v45 =	vsub.f32 v14, v34;
	v34 =	vmul.f32 v26, v42;
	v26 =	vadd.s32 $0xFFFFFFFF, v40  }
0x129: {  	vm1 =	vmmov vm3;
	v36 =	vadd.f32 v37, v36;
	v37 =	vmul.f32 v32, v29  }
0x12a: {  	v40 =	vor.u32 s3, v3;
	v29 =	vmul.f32 v45, v45;
	v34 =	vsub.f32 $1.500000000e+00, v34;
	v32 =	vld [tilespmem:s5+$0x0]  }
0x12b: {  	vm2 =	vmand vm4, vm2;
	vm3 =	vne.s32 v40, v7;
	v38 =	vmul.f32 v37, v28  }
.Ltmp16:
0x12c: {  	s11 =	sadd.s32 $0x10, s11;
	vm3 =	vmand vm3, vm2;
	v44 =	vadd.f32 v29, v36;
	v34 =	vmul.f32 v34, v42;
	(pc) =	sbr.rel @p3 .LBB2_19-.Ltmp16, $4  }
0x12d: {  	s13 =	sadd.s32 $0x10, s13;
	v48 =	vmpcnt.ones.xlane vm3;
	v29 =	vld [tilespmem:s11+$0x0];
	v42 =	vmul.f32 v38, v37;
	v38 =	vsel vm3, $0x1, v1;
	[tilespmem:v26+s25+$0x0] =	vst.idx.msk vm5, v7  }
0x12e: {  	vm2 =	vlt.f32 v44, $2.500000000e+01;
	v46 =	vmax.f32 v44, $1.000000000e-30;
	v49 =	vmul.f32 v34, v20;
	v20 =	vmovc v47;
	v36 =	vld [tilespmem:s13+$0x0];
	(xrf0) =	vadd.scan.msk.s32 $0xffff, v38  }
0x12f: {  	s14 =	sadd.s32 $0x10, s14;
	v47 =	vmovc v44;
	v50 =	vshra.s32 v46, $0x1;
	v38 =	vmul.f32 $5.000000000e-01, v46;
	v46 =	vsub.f32 $1.500000000e+00, v42;
	[tilespmem:v26+s26+$0x0] =	vst.idx.msk vm1, v27;
	v27 =	vmovc v40  }
0x130: {  	v31 =	vadd.s32 v31, v48;
	vm4 =	veq.s32 v32, v9;
	v32 =	vsub.s32 $0x5F3759DF, v50;
	v34 =	vld [tilespmem:s14+$0x0];
	[tilespmem:v26+s28+$0x0] =	vst.idx.msk vm1, v49  }
.Ltmp17:
0x131: {  	(pc) =	sbr.rel .LBB2_21-.Ltmp17, $3  }
0x132: {  	_ =	sdelay $0x1  }
0x133: {  	v44 =	vmov v19;
	v42 =	vmov v16;
	v40 =	vmov v11  }
0x134: {  	v48 =	vmovc v20;
	v19 =	vmovc v43;
	v16 =	vmov v41;
	v11 =	vmov v45;
	v20 =	vmov v47  }
.LBB2_14:
.Ltmp18:
0x135: {  	(pc) =	sbr.rel .LBB2_21-.Ltmp18, $3  }
0x136: {  	_ =	sdelay $0x1  }
0x137: {  	v19 =	vmov v18;
	v16 =	vmov v12  }
0x138: {  	v11 =	vmovc v10;
	v20 =	vmovc v17;
	v31 =	vmov v8;
	s5 =	smov.u32 s7;
	s3 =	smov.u32 s10;
	v24 =	vmov v8;
	v38 =	vmov v22  }
.LBB2_16:
.Ltmp19:
0x139: {  	(pc) =	sbr.rel .LBB2_21-.Ltmp19, $4  }
0x13a: {  	_ = 	snop  }
0x13b: {  	v38 =	vmov v28;
	v37 =	vmov v23  }
0x13c: {  	v44 =	vmovc v18;
	vm3 =	vmmov vm0;
	v42 =	vmovc v12;
	v40 =	vmov v10;
	v28 =	vmov v22  }
0x13d: {  	v39 =	vmovc v8;
	v31 =	vmovc v24;
	s3 =	smov.u32 s10;
	v48 =	vmov v17;
	v27 =	vmov v21;
	v46 =	vmov v25  }
.LBB2_18:
.Ltmp20:
0x13e: {  	(pc) =	sbr.rel .LBB2_21-.Ltmp20, $4  }
0x13f: {  	_ = 	snop  }
0x140: {  	v44 =	vmov v19;
	v42 =	vmov v16  }
0x141: {  	v40 =	vmovc v11;
	v48 =	vmovc v20;
	v30 =	vmov v18;
	v19 =	vmov v43;
	v35 =	vmov v12  }
0x142: {  	v16 =	vmovc v41;
	v33 =	vmovc v10;
	v11 =	vmov v45;
	v39 =	vmov v24;
	v20 =	vmov v47  }
.LBB2_24:
0x143: {  	_ =	sfence.sel $0x180000  }
0x144: {  	[bflag:$0x0] =	sbarrier.arrive $0xFFFF  }
0x145: {  	_ =	strace $0x9000004A  }
0x146: {  	s0 =	stileid.u32;
	[bflag:$0x2] =	sbarrier.arrive $0xFFFF  }
0x147: {  	p0 =	sne.s32 s0, $0x0;
	s0 =	rddreg [dreg:$0x5]  }
0x148: {  	s0 =	sadd.s32 @!p0 $0x100000, s0  }
0x149: {  	[sflag:s0] =	ssyncadd.tile.s32 @!p0 $0x1;
	_ =	shalt  }
.Lfunc_end2:
_tile_overlayer_lowered:
.L_overlay_start_2:
0x14a: {  	(tag) =	ssettag $0x2  }
0x14b: {  	s0 =	rddreg [dreg:$0x0];
	s2 =	stileid.u32  }
0x14c: {  	s1 =	rddreg [dreg:$0x1];
	p0 =	sne.s32 s2, $0x0  }
0x14d: {  	s3 =	rddreg [dreg:$0x2];
	[bflag:$0x3] =	sbarrier.arrive $0xFFFF;
	s2 =	simm.s32 @!p0 $0x1C01  }
0x14e: {  	[timem:s3], [sflag:s2] =	dma.local @!p0 [hbm:s0], s1  }
0x14f: {  	s0 =	simm.s32 @!p0 $0x1  }
0x150: {  	_ =	swait.ge @!p0 [sflag:s0], s1  }
0x151: {  	s1 =	ssub.s32 @!p0 $0x0, s1;
	[sflag:s0] =	ssyncset.done @!p0 $0x0  }
0x152: {  	[sflag:s0] =	ssyncadd.s32 @!p0 s1  }
0x153: {  	[bflag:$0x3] =	sbarrier.arrive $0xFFFF  }
0x154: {  	_ =	shalt  }

</sc_bundles>
